<compile_context>
chip_gen: v7x
topology: tpu7x:2x2x1
jax: 0.10.2.dev20260603
libtpu: 0.0.44.dev20260713+nightly
codegen_flags: <defaults>
</compile_context>

<pallas_src>
import functools

import jax
import jax.numpy as jnp
from jax import lax
from jax.experimental import pallas as pl
from jax.experimental.pallas import tpu as pltpu
from jax.experimental.pallas import tpu_sc as plsc

NUM_EMB = 1000000
DIM = 64
BATCH = 16384
HIST = 50

NC = 2
NS = 16
NW = NC * NS
BPW = BATCH // NW
NBT = BPW // 128
NUNIT = NBT * HIST
L = 16

_mesh = plsc.VectorSubcoreMesh(core_axis_name="c", subcore_axis_name="s")


@functools.partial(
    pl.kernel,
    mesh=_mesh,
    out_type=jax.ShapeDtypeStruct((HIST, DIM, BATCH), jnp.float32),
    scratch_types=[
        pltpu.VMEM((128,), jnp.int32),
        pltpu.VMEM((128,), jnp.int32),
        pltpu.VMEM((128,), jnp.int32),
        pltpu.VMEM((128,), jnp.int32),
        pltpu.VMEM((128, 128), jnp.float32),
        pltpu.VMEM((128, 128), jnp.float32),
        pltpu.VMEM((DIM, 128), jnp.float32),
        pltpu.VMEM((DIM, 128), jnp.float32),
        pltpu.SemaphoreType.DMA,
        pltpu.SemaphoreType.DMA,
        pltpu.SemaphoreType.DMA,
        pltpu.SemaphoreType.DMA,
        pltpu.SemaphoreType.DMA,
        pltpu.SemaphoreType.DMA,
        pltpu.SemaphoreType.DMA,
        pltpu.SemaphoreType.DMA,
    ],
    compiler_params=pltpu.CompilerParams(use_tc_tiling_on_sc=True,
                                         needs_layout_passes=False),
)
def _gather_kernel(idx_hbm, table_hbm, out_hbm,
                   idx0, idx1, idx2, idx3, rows0, rows1, st0, st1,
                   si0, si1, si2, si3, sg0, sg1, sw0, sw1):
    wid = lax.axis_index("s") * NC + lax.axis_index("c")
    bw = wid * BPW

    idxv = (idx0, idx1, idx2, idx3)
    si = (si0, si1, si2, si3)
    rows = (rows0, rows1)
    stg = (st0, st1)
    sg = (sg0, sg1)
    sw = (sw0, sw1)

    def unit_hb(u):
        bt = u // HIST
        h = u - bt * HIST
        return h, bw + bt * 128

    def i_start(q, u):
        h, b0 = unit_hb(u)
        pltpu.async_copy(idx_hbm.at[h, pl.ds(b0, 128)], idxv[q], si[q])

    def i_wait(q):
        pltpu.make_async_copy(idx_hbm.at[0, pl.ds(0, 128)], idxv[q],
                              si[q]).wait()

    def g_start(b, q):
        pltpu.async_copy(table_hbm.at[idxv[q]], rows[b], sg[b])

    def g_wait(b):
        pltpu.make_async_copy(table_hbm.at[idxv[0]], rows[b], sg[b]).wait()

    def w_start(b, u):
        h, b0 = unit_hb(u)
        pltpu.async_copy(stg[b], out_hbm.at[h, :, pl.ds(b0, 128)], sw[b])

    def w_wait(b):
        pltpu.make_async_copy(stg[b], out_hbm.at[0, :, pl.ds(0, 128)],
                              sw[b]).wait()

    lanes = lax.iota(jnp.int32, L)
    rowidx = tuple(lanes + (L * j) for j in range(128 // L))

    def transpose(b):
        @functools.partial(plsc.parallel_loop, 0, DIM, unroll=4)
        def tbody(c):
            col = jnp.full((L,), c, jnp.int32)
            vs = [plsc.load_gather(rows[b], [rowidx[j], col])
                  for j in range(128 // L)]
            for j in range(128 // L):
                stg[b][c, pl.ds(L * j, L)] = vs[j]

    def steady(u, b, q, skip_w_wait=False):
        g_wait(b)
        if u + 4 < NUNIT:
            i_start(q, u + 4)
        if not skip_w_wait:
            w_wait(b)
        transpose(b)
        w_start(b, u)
        if u + 2 < NUNIT:
            i_wait((u + 2) % 4)
            g_start(b, (u + 2) % 4)

    i_start(0, 0)
    i_start(1, 1)
    i_start(2, 2)
    i_start(3, 3)
    i_wait(0)
    g_start(0, 0)
    i_wait(1)
    g_start(1, 1)
    steady(0, 0, 0, skip_w_wait=True)
    steady(1, 1, 1, skip_w_wait=True)
    steady(2, 0, 2)
    steady(3, 1, 3)

    def body(k, carry):
        u0 = 4 * k
        g_wait(0)
        i_start(0, u0 + 4)
        w_wait(0)
        transpose(0)
        w_start(0, u0)
        i_wait(2)
        g_start(0, 2)
        g_wait(1)
        i_start(1, u0 + 5)
        w_wait(1)
        transpose(1)
        w_start(1, u0 + 1)
        i_wait(3)
        g_start(1, 3)
        g_wait(0)
        i_start(2, u0 + 6)
        w_wait(0)
        transpose(0)
        w_start(0, u0 + 2)
        i_wait(0)
        g_start(0, 0)
        g_wait(1)
        i_start(3, u0 + 7)
        w_wait(1)
        transpose(1)
        w_start(1, u0 + 3)
        i_wait(1)
        g_start(1, 1)
        return carry

    lax.fori_loop(1, NUNIT // 4 - 1, body, 0)

    steady(NUNIT - 4, 0, 0)
    steady(NUNIT - 3, 1, 1)
    steady(NUNIT - 2, 0, 2)
    steady(NUNIT - 1, 1, 3)
    w_wait(0)
    w_wait(1)


NTC = NUM_EMB // 128
REM = NUM_EMB - NTC * 128
NTC2 = NTC // 2
CUNIT = 124


@functools.partial(
    pl.kernel,
    mesh=_mesh,
    out_type=jax.ShapeDtypeStruct((NUM_EMB, 128), jnp.float32),
    scratch_types=[
        pltpu.VMEM((DIM, 256), jnp.float32),
        pltpu.VMEM((DIM, 256), jnp.float32),
        pltpu.VMEM((256, 128), jnp.float32),
        pltpu.VMEM((256, 128), jnp.float32),
        pltpu.SemaphoreType.DMA,
        pltpu.SemaphoreType.DMA,
        pltpu.SemaphoreType.DMA,
        pltpu.SemaphoreType.DMA,
    ],
    compiler_params=pltpu.CompilerParams(use_tc_tiling_on_sc=True,
                                         needs_layout_passes=False),
)
def _convert_kernel(wt_hbm, tail_hbm, out_hbm, src0, src1, dst0, dst1,
                    sr0, sr1, sw0, sw1):
    wid = lax.axis_index("s") * NC + lax.axis_index("c")

    src = (src0, src1)
    dst = (dst0, dst1)
    sr = (sr0, sr1)
    sw = (sw0, sw1)

    def tc_of(n):
        tc = wid + NW * n
        return jnp.where(tc < NTC2, tc, 0)

    def r_start(b, n):
        r0 = pl.multiple_of(tc_of(n) * 256, 128)
        pltpu.async_copy(wt_hbm.at[:, pl.ds(r0, 256)], src[b], sr[b])

    def r_wait(b):
        pltpu.make_async_copy(wt_hbm.at[:, pl.ds(0, 256)], src[b],
                              sr[b]).wait()

    def w_start(b, n):
        r0 = pl.multiple_of(tc_of(n) * 256, 128)
        pltpu.async_copy(dst[b], out_hbm.at[pl.ds(r0, 256)], sw[b])

    def w_wait(b):
        pltpu.make_async_copy(dst[b], out_hbm.at[pl.ds(0, 256)], sw[b]).wait()

    lanes = lax.iota(jnp.int32, L)
    cidx = tuple(lanes + (L * j) for j in range(DIM // L))

    def transpose(b, nrows):
        @functools.partial(plsc.parallel_loop, 0, nrows, unroll=4)
        def tbody(r):
            col = jnp.full((L,), r, jnp.int32)
            vs = [plsc.load_gather(src[b], [cidx[j], col])
                  for j in range(DIM // L)]
            for j in range(DIM // L):
                dst[b][r, pl.ds(L * j, L)] = vs[j]

    def steady(n, b, skip_w_wait=False, do_start=True):
        r_wait(b)
        if not skip_w_wait:
            w_wait(b)
        transpose(b, 256)
        w_start(b, n)
        if do_start:
            r_start(b, n + 2)

    r_start(0, 0)
    r_start(1, 1)
    steady(0, 0, skip_w_wait=True)
    steady(1, 1, skip_w_wait=True)

    def body(k, carry):
        steady(2 * k, 0)
        steady(2 * k + 1, 1)
        return carry

    lax.fori_loop(1, CUNIT // 2 - 1, body, 0)

    steady(CUNIT - 2, 0, do_start=False)
    steady(CUNIT - 1, 1, do_start=False)
    w_wait(0)
    w_wait(1)

    @pl.when(wid == 0)
    def _partial():
        pltpu.sync_copy(tail_hbm, src0.at[:, pl.ds(0, 128)])
        pltpu.sync_copy(src0.at[:, pl.ds(0, 128)],
                        out_hbm.at[pl.ds(NTC * 128, REM)])


def kernel(input_, weight):
    idx2 = input_.T
    tail = jnp.pad(weight[NTC * 128:], ((0, 0), (0, 128 - DIM)))
    wpad = _convert_kernel(weight.T, tail)
    out_t = _gather_kernel(idx2, wpad)
    return jnp.transpose(out_t, (2, 0, 1))

# --- scband reference (transcript-rebuilt; emitter-appended) ---
"""Pipeline reference for scband-vocab-parallel-embedding-74577812128091 (READ-ONLY COPY).

The authoritative reference and input builder live on the scoring server;
editing this copy changes nothing except your own understanding.
"""

import jax, jax.numpy as jnp
import numpy as np

NUM_EMBEDDINGS = 1000000
EMBEDDING_DIM = 64
BATCH = 16384
HIST = 50

def setup_inputs(seed: int = 0) -> dict:
    key = jax.random.key(seed)
    k_idx, k_w = jax.random.split(key)
    input_ = jax.random.randint(k_idx, (BATCH, HIST), 0, NUM_EMBEDDINGS, dtype=jnp.int64 if jax.config.jax_enable_x64 else jnp.int32)
    # xavier_normal for [num_embeddings, embedding_dim]
    std = float(np.sqrt(2.0 / (NUM_EMBEDDINGS + EMBEDDING_DIM)))
    weight = jax.random.normal(k_w, (NUM_EMBEDDINGS, EMBEDDING_DIM), dtype=jnp.float32) * std
    return {"input_": input_, "weight": weight}

def reference(input_, weight):
    # F.embedding with no padding_idx/max_norm/sparse == plain row gather
    return jnp.take(weight, input_, axis=0)

if __name__ == "__main__":
    import jax
    _d = setup_inputs()
    print(jax.jit(kernel)(*tuple(_d.values())))

</pallas_src>

<mosaic_0001>
#map = affine_map<(d0, d1) -> (0, 0)>
module attributes {stable_mosaic.version = 14 : i64} {
  func.func @_convert_kernel(%arg0: i32, %arg1: i32, %arg2: memref<64x1000000xf32, #tpu.memory_space<hbm>>, %arg3: memref<64x128xf32, #tpu.memory_space<hbm>>, %arg4: memref<1000000x128xf32, #tpu.memory_space<hbm>>, %arg5: memref<64x256xf32, #tpu.memory_space<vmem>>, %arg6: memref<64x256xf32, #tpu.memory_space<vmem>>, %arg7: memref<256x128xf32, #tpu.memory_space<vmem>>, %arg8: memref<256x128xf32, #tpu.memory_space<vmem>>, %arg9: memref<!tpu.dma_semaphore, #tpu.memory_space<semaphore_mem>>, %arg10: memref<!tpu.dma_semaphore, #tpu.memory_space<semaphore_mem>>, %arg11: memref<!tpu.dma_semaphore, #tpu.memory_space<semaphore_mem>>, %arg12: memref<!tpu.dma_semaphore, #tpu.memory_space<semaphore_mem>>) attributes {dimension_semantics = [#tpu.dimension_semantics<core_parallel>, #tpu.dimension_semantics<subcore_parallel>], iteration_bounds = array<i64: 2, 16>, scalar_prefetch = 0 : i64, scratch_operands = 8 : i64, tpu.core_type = #tpu.core_type<sc_vector_subcore>, window_params = [{transform_indices = #map}, {transform_indices = #map}, {transform_indices = #map}]} {
    %mul3A = arith.constant 2 : i32
    %mul3A_0 = arith.muli %arg1, %mul3A : i32
    %add3A = arith.addi %mul3A_0, %arg0 : i32
    %iota3A = tpu.iota {dimensions = array<i32: 0>} : vector<16xi32>
    %add3A_1 = arith.constant 0 : i32
    %add3A_2 = vector.broadcast %add3A_1 : i32 to vector<16xi32>
    %add3A_3 = arith.addi %iota3A, %add3A_2 : vector<16xi32>
    %add3A_4 = arith.constant 16 : i32
    %add3A_5 = vector.broadcast %add3A_4 : i32 to vector<16xi32>
    %add3A_6 = arith.addi %iota3A, %add3A_5 : vector<16xi32>
    %add3A_7 = arith.constant 32 : i32
    %add3A_8 = vector.broadcast %add3A_7 : i32 to vector<16xi32>
    %add3A_9 = arith.addi %iota3A, %add3A_8 : vector<16xi32>
    %add3A_10 = arith.constant 48 : i32
    %add3A_11 = vector.broadcast %add3A_10 : i32 to vector<16xi32>
    %add3A_12 = arith.addi %iota3A, %add3A_11 : vector<16xi32>
    %add3A_13 = arith.constant 0 : i32
    %add3A_14 = arith.addi %add3A, %add3A_13 : i32
    %lt3A = arith.constant 3906 : i32
    %lt3A_15 = arith.cmpi slt, %add3A_14, %lt3A : i32
    %jit3A = arith.constant 0 : i32
    %select_n3A = arith.select %lt3A_15, %add3A_14, %jit3A : i32
    %mul3A_16 = arith.constant 256 : i32
    %mul3A_17 = arith.muli %select_n3A, %mul3A_16 : i32
    %multiple_of3A = tpu.assume_multiple %mul3A_17, 128 : i32
    %dma_start3A = arith.constant 0 : i32
    %dma_start3A_18 = tpu.memref_slice %arg2[%dma_start3A, %multiple_of3A] : memref<64x1000000xf32, #tpu.memory_space<hbm>> -> memref<64x256xf32, #tpu.memory_space<hbm>>
    %dma_start3A_19 = arith.constant 0 : i32
    %dma_start3A_20 = tpu.memref_slice %arg2[%dma_start3A_19, %multiple_of3A] : memref<64x1000000xf32, #tpu.memory_space<hbm>> -> memref<64x256xf32, #tpu.memory_space<hbm>>
    tpu.enqueue_dma source(%dma_start3A_20 : memref<64x256xf32, #tpu.memory_space<hbm>>) target(%arg5 : memref<64x256xf32, #tpu.memory_space<vmem>>) target_semaphore(%arg9 : memref<!tpu.dma_semaphore, #tpu.memory_space<semaphore_mem>>)
    %add3A_21 = arith.constant 32 : i32
    %add3A_22 = arith.addi %add3A, %add3A_21 : i32
    %lt3A_23 = arith.constant 3906 : i32
    %lt3A_24 = arith.cmpi slt, %add3A_22, %lt3A_23 : i32
    %jit3A_25 = arith.constant 0 : i32
    %select_n3A_26 = arith.select %lt3A_24, %add3A_22, %jit3A_25 : i32
    %mul3A_27 = arith.constant 256 : i32
    %mul3A_28 = arith.muli %select_n3A_26, %mul3A_27 : i32
    %multiple_of3A_29 = tpu.assume_multiple %mul3A_28, 128 : i32
    %dma_start3A_30 = arith.constant 0 : i32
    %dma_start3A_31 = tpu.memref_slice %arg2[%dma_start3A_30, %multiple_of3A_29] : memref<64x1000000xf32, #tpu.memory_space<hbm>> -> memref<64x256xf32, #tpu.memory_space<hbm>>
    %dma_start3A_32 = arith.constant 0 : i32
    %dma_start3A_33 = tpu.memref_slice %arg2[%dma_start3A_32, %multiple_of3A_29] : memref<64x1000000xf32, #tpu.memory_space<hbm>> -> memref<64x256xf32, #tpu.memory_space<hbm>>
    tpu.enqueue_dma source(%dma_start3A_33 : memref<64x256xf32, #tpu.memory_space<hbm>>) target(%arg6 : memref<64x256xf32, #tpu.memory_space<vmem>>) target_semaphore(%arg10 : memref<!tpu.dma_semaphore, #tpu.memory_space<semaphore_mem>>)
    %dma_wait3A = arith.constant 0 : i32
    %dma_wait3A_34 = arith.constant 0 : i32
    %dma_wait3A_35 = tpu.memref_slice %arg2[%dma_wait3A, %dma_wait3A_34] : memref<64x1000000xf32, #tpu.memory_space<hbm>> -> memref<64x256xf32, #tpu.memory_space<hbm>>
    %dma_wait3A_36 = arith.constant 0 : i32
    %dma_wait3A_37 = arith.constant 0 : i32
    %dma_wait3A_38 = tpu.memref_slice %arg2[%dma_wait3A_36, %dma_wait3A_37] : memref<64x1000000xf32, #tpu.memory_space<hbm>> -> memref<64x256xf32, #tpu.memory_space<hbm>>
    tpu.wait_dma2 semaphore(%arg9 : memref<!tpu.dma_semaphore, #tpu.memory_space<semaphore_mem>>) src(%dma_wait3A_38 : memref<64x256xf32, #tpu.memory_space<hbm>>) dst(%arg5 : memref<64x256xf32, #tpu.memory_space<vmem>>)
    %add3A_39 = arith.constant 0 : i32
    %add3A_40 = arith.addi %add3A, %add3A_39 : i32
    %lt3A_41 = arith.constant 3906 : i32
    %lt3A_42 = arith.cmpi slt, %add3A_40, %lt3A_41 : i32
    %jit3A_43 = arith.constant 0 : i32
    %select_n3A_44 = arith.select %lt3A_42, %add3A_40, %jit3A_43 : i32
    %mul3A_45 = arith.constant 256 : i32
    %mul3A_46 = arith.muli %select_n3A_44, %mul3A_45 : i32
    %multiple_of3A_47 = tpu.assume_multiple %mul3A_46, 128 : i32
    %dma_start3A_48 = arith.constant 0 : i32
    %dma_start3A_49 = tpu.memref_slice %arg4[%multiple_of3A_47, %dma_start3A_48] : memref<1000000x128xf32, #tpu.memory_space<hbm>> -> memref<256x128xf32, #tpu.memory_space<hbm>>
    %dma_start3A_50 = arith.constant 0 : i32
    %dma_start3A_51 = tpu.memref_slice %arg4[%multiple_of3A_47, %dma_start3A_50] : memref<1000000x128xf32, #tpu.memory_space<hbm>> -> memref<256x128xf32, #tpu.memory_space<hbm>>
    tpu.enqueue_dma source(%arg7 : memref<256x128xf32, #tpu.memory_space<vmem>>) target(%dma_start3A_51 : memref<256x128xf32, #tpu.memory_space<hbm>>) target_semaphore(%arg11 : memref<!tpu.dma_semaphore, #tpu.memory_space<semaphore_mem>>)
    %add3A_52 = arith.constant 64 : i32
    %add3A_53 = arith.addi %add3A, %add3A_52 : i32
    %lt3A_54 = arith.constant 3906 : i32
    %lt3A_55 = arith.cmpi slt, %add3A_53, %lt3A_54 : i32
    %jit3A_56 = arith.constant 0 : i32
    %select_n3A_57 = arith.select %lt3A_55, %add3A_53, %jit3A_56 : i32
    %mul3A_58 = arith.constant 256 : i32
    %mul3A_59 = arith.muli %select_n3A_57, %mul3A_58 : i32
    %multiple_of3A_60 = tpu.assume_multiple %mul3A_59, 128 : i32
    %dma_start3A_61 = arith.constant 0 : i32
    %dma_start3A_62 = tpu.memref_slice %arg2[%dma_start3A_61, %multiple_of3A_60] : memref<64x1000000xf32, #tpu.memory_space<hbm>> -> memref<64x256xf32, #tpu.memory_space<hbm>>
    %dma_start3A_63 = arith.constant 0 : i32
    %dma_start3A_64 = tpu.memref_slice %arg2[%dma_start3A_63, %multiple_of3A_60] : memref<64x1000000xf32, #tpu.memory_space<hbm>> -> memref<64x256xf32, #tpu.memory_space<hbm>>
    tpu.enqueue_dma source(%dma_start3A_64 : memref<64x256xf32, #tpu.memory_space<hbm>>) target(%arg5 : memref<64x256xf32, #tpu.memory_space<vmem>>) target_semaphore(%arg9 : memref<!tpu.dma_semaphore, #tpu.memory_space<semaphore_mem>>)
    %dma_wait3A_65 = arith.constant 0 : i32
    %dma_wait3A_66 = arith.constant 0 : i32
    %dma_wait3A_67 = tpu.memref_slice %arg2[%dma_wait3A_65, %dma_wait3A_66] : memref<64x1000000xf32, #tpu.memory_space<hbm>> -> memref<64x256xf32, #tpu.memory_space<hbm>>
    %dma_wait3A_68 = arith.constant 0 : i32
    %dma_wait3A_69 = arith.constant 0 : i32
    %dma_wait3A_70 = tpu.memref_slice %arg2[%dma_wait3A_68, %dma_wait3A_69] : memref<64x1000000xf32, #tpu.memory_space<hbm>> -> memref<64x256xf32, #tpu.memory_space<hbm>>
    tpu.wait_dma2 semaphore(%arg10 : memref<!tpu.dma_semaphore, #tpu.memory_space<semaphore_mem>>) src(%dma_wait3A_70 : memref<64x256xf32, #tpu.memory_space<hbm>>) dst(%arg6 : memref<64x256xf32, #tpu.memory_space<vmem>>)
    %add3A_71 = arith.constant 32 : i32
    %add3A_72 = arith.addi %add3A, %add3A_71 : i32
    %lt3A_73 = arith.constant 3906 : i32
    %lt3A_74 = arith.cmpi slt, %add3A_72, %lt3A_73 : i32
    %jit3A_75 = arith.constant 0 : i32
    %select_n3A_76 = arith.select %lt3A_74, %add3A_72, %jit3A_75 : i32
    %mul3A_77 = arith.constant 256 : i32
    %mul3A_78 = arith.muli %select_n3A_76, %mul3A_77 : i32
    %multiple_of3A_79 = tpu.assume_multiple %mul3A_78, 128 : i32
    %dma_start3A_80 = arith.constant 0 : i32
    %dma_start3A_81 = tpu.memref_slice %arg4[%multiple_of3A_79, %dma_start3A_80] : memref<1000000x128xf32, #tpu.memory_space<hbm>> -> memref<256x128xf32, #tpu.memory_space<hbm>>
    %dma_start3A_82 = arith.constant 0 : i32
    %dma_start3A_83 = tpu.memref_slice %arg4[%multiple_of3A_79, %dma_start3A_82] : memref<1000000x128xf32, #tpu.memory_space<hbm>> -> memref<256x128xf32, #tpu.memory_space<hbm>>
    tpu.enqueue_dma source(%arg8 : memref<256x128xf32, #tpu.memory_space<vmem>>) target(%dma_start3A_83 : memref<256x128xf32, #tpu.memory_space<hbm>>) target_semaphore(%arg12 : memref<!tpu.dma_semaphore, #tpu.memory_space<semaphore_mem>>)
    %add3A_84 = arith.constant 96 : i32
    %add3A_85 = arith.addi %add3A, %add3A_84 : i32
    %lt3A_86 = arith.constant 3906 : i32
    %lt3A_87 = arith.cmpi slt, %add3A_85, %lt3A_86 : i32
    %jit3A_88 = arith.constant 0 : i32
    %select_n3A_89 = arith.select %lt3A_87, %add3A_85, %jit3A_88 : i32
    %mul3A_90 = arith.constant 256 : i32
    %mul3A_91 = arith.muli %select_n3A_89, %mul3A_90 : i32
    %multiple_of3A_92 = tpu.assume_multiple %mul3A_91, 128 : i32
    %dma_start3A_93 = arith.constant 0 : i32
    %dma_start3A_94 = tpu.memref_slice %arg2[%dma_start3A_93, %multiple_of3A_92] : memref<64x1000000xf32, #tpu.memory_space<hbm>> -> memref<64x256xf32, #tpu.memory_space<hbm>>
    %dma_start3A_95 = arith.constant 0 : i32
    %dma_start3A_96 = tpu.memref_slice %arg2[%dma_start3A_95, %multiple_of3A_92] : memref<64x1000000xf32, #tpu.memory_space<hbm>> -> memref<64x256xf32, #tpu.memory_space<hbm>>
    tpu.enqueue_dma source(%dma_start3A_96 : memref<64x256xf32, #tpu.memory_space<hbm>>) target(%arg6 : memref<64x256xf32, #tpu.memory_space<vmem>>) target_semaphore(%arg10 : memref<!tpu.dma_semaphore, #tpu.memory_space<semaphore_mem>>)
    %scan3A = arith.constant 0 : i32
    %scan3A_97 = arith.constant 1 : i32
    %scan3A_98 = arith.constant 60 : i32
    %scan3A_99 = arith.addi %scan3A_97, %scan3A_98 : i32
    %scan3A_100 = arith.constant 1 : i32
    scf.for %scan3A_166 = %scan3A_97 to %scan3A_99 step %scan3A_100  : i32 {
      %mul3A_167 = arith.constant 2 : i32
      %mul3A_168 = arith.muli %mul3A_167, %scan3A_166 : i32
      %dma_wait3A_169 = arith.constant 0 : i32
      %dma_wait3A_170 = arith.constant 0 : i32
      %dma_wait3A_171 = tpu.memref_slice %arg2[%dma_wait3A_169, %dma_wait3A_170] : memref<64x1000000xf32, #tpu.memory_space<hbm>> -> memref<64x256xf32, #tpu.memory_space<hbm>>
      %dma_wait3A_172 = arith.constant 0 : i32
      %dma_wait3A_173 = arith.constant 0 : i32
      %dma_wait3A_174 = tpu.memref_slice %arg2[%dma_wait3A_172, %dma_wait3A_173] : memref<64x1000000xf32, #tpu.memory_space<hbm>> -> memref<64x256xf32, #tpu.memory_space<hbm>>
      tpu.wait_dma2 semaphore(%arg9 : memref<!tpu.dma_semaphore, #tpu.memory_space<semaphore_mem>>) src(%dma_wait3A_174 : memref<64x256xf32, #tpu.memory_space<hbm>>) dst(%arg5 : memref<64x256xf32, #tpu.memory_space<vmem>>)
      %dma_wait3A_175 = arith.constant 0 : i32
      %dma_wait3A_176 = arith.constant 0 : i32
      %dma_wait3A_177 = tpu.memref_slice %arg4[%dma_wait3A_175, %dma_wait3A_176] : memref<1000000x128xf32, #tpu.memory_space<hbm>> -> memref<256x128xf32, #tpu.memory_space<hbm>>
      %dma_wait3A_178 = arith.constant 0 : i32
      %dma_wait3A_179 = arith.constant 0 : i32
      %dma_wait3A_180 = tpu.memref_slice %arg4[%dma_wait3A_178, %dma_wait3A_179] : memref<1000000x128xf32, #tpu.memory_space<hbm>> -> memref<256x128xf32, #tpu.memory_space<hbm>>
      tpu.wait_dma2 semaphore(%arg11 : memref<!tpu.dma_semaphore, #tpu.memory_space<semaphore_mem>>) src(%arg7 : memref<256x128xf32, #tpu.memory_space<vmem>>) dst(%dma_wait3A_180 : memref<256x128xf32, #tpu.memory_space<hbm>>)
      %mul3A_181 = arith.constant 32 : i32
      %mul3A_182 = arith.muli %mul3A_181, %mul3A_168 : i32
      %add3A_183 = arith.addi %add3A, %mul3A_182 : i32
      %lt3A_184 = arith.constant 3906 : i32
      %lt3A_185 = arith.cmpi slt, %add3A_183, %lt3A_184 : i32
      %jit3A_186 = arith.constant 0 : i32
      %select_n3A_187 = arith.select %lt3A_185, %add3A_183, %jit3A_186 : i32
      %mul3A_188 = arith.constant 256 : i32
      %mul3A_189 = arith.muli %select_n3A_187, %mul3A_188 : i32
      %multiple_of3A_190 = tpu.assume_multiple %mul3A_189, 128 : i32
      %dma_start3A_191 = arith.constant 0 : i32
      %dma_start3A_192 = tpu.memref_slice %arg4[%multiple_of3A_190, %dma_start3A_191] : memref<1000000x128xf32, #tpu.memory_space<hbm>> -> memref<256x128xf32, #tpu.memory_space<hbm>>
      %dma_start3A_193 = arith.constant 0 : i32
      %dma_start3A_194 = tpu.memref_slice %arg4[%multiple_of3A_190, %dma_start3A_193] : memref<1000000x128xf32, #tpu.memory_space<hbm>> -> memref<256x128xf32, #tpu.memory_space<hbm>>
      tpu.enqueue_dma source(%arg7 : memref<256x128xf32, #tpu.memory_space<vmem>>) target(%dma_start3A_194 : memref<256x128xf32, #tpu.memory_space<hbm>>) target_semaphore(%arg11 : memref<!tpu.dma_semaphore, #tpu.memory_space<semaphore_mem>>)
      %add3A_195 = arith.constant 2 : i32
      %add3A_196 = arith.addi %mul3A_168, %add3A_195 : i32
      %mul3A_197 = arith.constant 32 : i32
      %mul3A_198 = arith.muli %mul3A_197, %add3A_196 : i32
      %add3A_199 = arith.addi %add3A, %mul3A_198 : i32
      %lt3A_200 = arith.constant 3906 : i32
      %lt3A_201 = arith.cmpi slt, %add3A_199, %lt3A_200 : i32
      %jit3A_202 = arith.constant 0 : i32
      %select_n3A_203 = arith.select %lt3A_201, %add3A_199, %jit3A_202 : i32
      %mul3A_204 = arith.constant 256 : i32
      %mul3A_205 = arith.muli %select_n3A_203, %mul3A_204 : i32
      %multiple_of3A_206 = tpu.assume_multiple %mul3A_205, 128 : i32
      %dma_start3A_207 = arith.constant 0 : i32
      %dma_start3A_208 = tpu.memref_slice %arg2[%dma_start3A_207, %multiple_of3A_206] : memref<64x1000000xf32, #tpu.memory_space<hbm>> -> memref<64x256xf32, #tpu.memory_space<hbm>>
      %dma_start3A_209 = arith.constant 0 : i32
      %dma_start3A_210 = tpu.memref_slice %arg2[%dma_start3A_209, %multiple_of3A_206] : memref<64x1000000xf32, #tpu.memory_space<hbm>> -> memref<64x256xf32, #tpu.memory_space<hbm>>
      tpu.enqueue_dma source(%dma_start3A_210 : memref<64x256xf32, #tpu.memory_space<hbm>>) target(%arg5 : memref<64x256xf32, #tpu.memory_space<vmem>>) target_semaphore(%arg9 : memref<!tpu.dma_semaphore, #tpu.memory_space<semaphore_mem>>)
      %mul3A_211 = arith.constant 2 : i32
      %mul3A_212 = arith.muli %mul3A_211, %scan3A_166 : i32
      %add3A_213 = arith.constant 1 : i32
      %add3A_214 = arith.addi %mul3A_212, %add3A_213 : i32
      %dma_wait3A_215 = arith.constant 0 : i32
      %dma_wait3A_216 = arith.constant 0 : i32
      %dma_wait3A_217 = tpu.memref_slice %arg2[%dma_wait3A_215, %dma_wait3A_216] : memref<64x1000000xf32, #tpu.memory_space<hbm>> -> memref<64x256xf32, #tpu.memory_space<hbm>>
      %dma_wait3A_218 = arith.constant 0 : i32
      %dma_wait3A_219 = arith.constant 0 : i32
      %dma_wait3A_220 = tpu.memref_slice %arg2[%dma_wait3A_218, %dma_wait3A_219] : memref<64x1000000xf32, #tpu.memory_space<hbm>> -> memref<64x256xf32, #tpu.memory_space<hbm>>
      tpu.wait_dma2 semaphore(%arg10 : memref<!tpu.dma_semaphore, #tpu.memory_space<semaphore_mem>>) src(%dma_wait3A_220 : memref<64x256xf32, #tpu.memory_space<hbm>>) dst(%arg6 : memref<64x256xf32, #tpu.memory_space<vmem>>)
      %dma_wait3A_221 = arith.constant 0 : i32
      %dma_wait3A_222 = arith.constant 0 : i32
      %dma_wait3A_223 = tpu.memref_slice %arg4[%dma_wait3A_221, %dma_wait3A_222] : memref<1000000x128xf32, #tpu.memory_space<hbm>> -> memref<256x128xf32, #tpu.memory_space<hbm>>
      %dma_wait3A_224 = arith.constant 0 : i32
      %dma_wait3A_225 = arith.constant 0 : i32
      %dma_wait3A_226 = tpu.memref_slice %arg4[%dma_wait3A_224, %dma_wait3A_225] : memref<1000000x128xf32, #tpu.memory_space<hbm>> -> memref<256x128xf32, #tpu.memory_space<hbm>>
      tpu.wait_dma2 semaphore(%arg12 : memref<!tpu.dma_semaphore, #tpu.memory_space<semaphore_mem>>) src(%arg8 : memref<256x128xf32, #tpu.memory_space<vmem>>) dst(%dma_wait3A_226 : memref<256x128xf32, #tpu.memory_space<hbm>>)
      %mul3A_227 = arith.constant 32 : i32
      %mul3A_228 = arith.muli %mul3A_227, %add3A_214 : i32
      %add3A_229 = arith.addi %add3A, %mul3A_228 : i32
      %lt3A_230 = arith.constant 3906 : i32
      %lt3A_231 = arith.cmpi slt, %add3A_229, %lt3A_230 : i32
      %jit3A_232 = arith.constant 0 : i32
      %select_n3A_233 = arith.select %lt3A_231, %add3A_229, %jit3A_232 : i32
      %mul3A_234 = arith.constant 256 : i32
      %mul3A_235 = arith.muli %select_n3A_233, %mul3A_234 : i32
      %multiple_of3A_236 = tpu.assume_multiple %mul3A_235, 128 : i32
      %dma_start3A_237 = arith.constant 0 : i32
      %dma_start3A_238 = tpu.memref_slice %arg4[%multiple_of3A_236, %dma_start3A_237] : memref<1000000x128xf32, #tpu.memory_space<hbm>> -> memref<256x128xf32, #tpu.memory_space<hbm>>
      %dma_start3A_239 = arith.constant 0 : i32
      %dma_start3A_240 = tpu.memref_slice %arg4[%multiple_of3A_236, %dma_start3A_239] : memref<1000000x128xf32, #tpu.memory_space<hbm>> -> memref<256x128xf32, #tpu.memory_space<hbm>>
      tpu.enqueue_dma source(%arg8 : memref<256x128xf32, #tpu.memory_space<vmem>>) target(%dma_start3A_240 : memref<256x128xf32, #tpu.memory_space<hbm>>) target_semaphore(%arg12 : memref<!tpu.dma_semaphore, #tpu.memory_space<semaphore_mem>>)
      %add3A_241 = arith.constant 2 : i32
      %add3A_242 = arith.addi %add3A_214, %add3A_241 : i32
      %mul3A_243 = arith.constant 32 : i32
      %mul3A_244 = arith.muli %mul3A_243, %add3A_242 : i32
      %add3A_245 = arith.addi %add3A, %mul3A_244 : i32
      %lt3A_246 = arith.constant 3906 : i32
      %lt3A_247 = arith.cmpi slt, %add3A_245, %lt3A_246 : i32
      %jit3A_248 = arith.constant 0 : i32
      %select_n3A_249 = arith.select %lt3A_247, %add3A_245, %jit3A_248 : i32
      %mul3A_250 = arith.constant 256 : i32
      %mul3A_251 = arith.muli %select_n3A_249, %mul3A_250 : i32
      %multiple_of3A_252 = tpu.assume_multiple %mul3A_251, 128 : i32
      %dma_start3A_253 = arith.constant 0 : i32
      %dma_start3A_254 = tpu.memref_slice %arg2[%dma_start3A_253, %multiple_of3A_252] : memref<64x1000000xf32, #tpu.memory_space<hbm>> -> memref<64x256xf32, #tpu.memory_space<hbm>>
      %dma_start3A_255 = arith.constant 0 : i32
      %dma_start3A_256 = tpu.memref_slice %arg2[%dma_start3A_255, %multiple_of3A_252] : memref<64x1000000xf32, #tpu.memory_space<hbm>> -> memref<64x256xf32, #tpu.memory_space<hbm>>
      tpu.enqueue_dma source(%dma_start3A_256 : memref<64x256xf32, #tpu.memory_space<hbm>>) target(%arg6 : memref<64x256xf32, #tpu.memory_space<vmem>>) target_semaphore(%arg10 : memref<!tpu.dma_semaphore, #tpu.memory_space<semaphore_mem>>)
    }
    %scan3A_101 = arith.constant 60 : i32
    %dma_wait3A_102 = arith.constant 0 : i32
    %dma_wait3A_103 = arith.constant 0 : i32
    %dma_wait3A_104 = tpu.memref_slice %arg2[%dma_wait3A_102, %dma_wait3A_103] : memref<64x1000000xf32, #tpu.memory_space<hbm>> -> memref<64x256xf32, #tpu.memory_space<hbm>>
    %dma_wait3A_105 = arith.constant 0 : i32
    %dma_wait3A_106 = arith.constant 0 : i32
    %dma_wait3A_107 = tpu.memref_slice %arg2[%dma_wait3A_105, %dma_wait3A_106] : memref<64x1000000xf32, #tpu.memory_space<hbm>> -> memref<64x256xf32, #tpu.memory_space<hbm>>
    tpu.wait_dma2 semaphore(%arg9 : memref<!tpu.dma_semaphore, #tpu.memory_space<semaphore_mem>>) src(%dma_wait3A_107 : memref<64x256xf32, #tpu.memory_space<hbm>>) dst(%arg5 : memref<64x256xf32, #tpu.memory_space<vmem>>)
    %dma_wait3A_108 = arith.constant 0 : i32
    %dma_wait3A_109 = arith.constant 0 : i32
    %dma_wait3A_110 = tpu.memref_slice %arg4[%dma_wait3A_108, %dma_wait3A_109] : memref<1000000x128xf32, #tpu.memory_space<hbm>> -> memref<256x128xf32, #tpu.memory_space<hbm>>
    %dma_wait3A_111 = arith.constant 0 : i32
    %dma_wait3A_112 = arith.constant 0 : i32
    %dma_wait3A_113 = tpu.memref_slice %arg4[%dma_wait3A_111, %dma_wait3A_112] : memref<1000000x128xf32, #tpu.memory_space<hbm>> -> memref<256x128xf32, #tpu.memory_space<hbm>>
    tpu.wait_dma2 semaphore(%arg11 : memref<!tpu.dma_semaphore, #tpu.memory_space<semaphore_mem>>) src(%arg7 : memref<256x128xf32, #tpu.memory_space<vmem>>) dst(%dma_wait3A_113 : memref<256x128xf32, #tpu.memory_space<hbm>>)
    %add3A_114 = arith.constant 3904 : i32
    %add3A_115 = arith.addi %add3A, %add3A_114 : i32
    %lt3A_116 = arith.constant 3906 : i32
    %lt3A_117 = arith.cmpi slt, %add3A_115, %lt3A_116 : i32
    %jit3A_118 = arith.constant 0 : i32
    %select_n3A_119 = arith.select %lt3A_117, %add3A_115, %jit3A_118 : i32
    %mul3A_120 = arith.constant 256 : i32
    %mul3A_121 = arith.muli %select_n3A_119, %mul3A_120 : i32
    %multiple_of3A_122 = tpu.assume_multiple %mul3A_121, 128 : i32
    %dma_start3A_123 = arith.constant 0 : i32
    %dma_start3A_124 = tpu.memref_slice %arg4[%multiple_of3A_122, %dma_start3A_123] : memref<1000000x128xf32, #tpu.memory_space<hbm>> -> memref<256x128xf32, #tpu.memory_space<hbm>>
    %dma_start3A_125 = arith.constant 0 : i32
    %dma_start3A_126 = tpu.memref_slice %arg4[%multiple_of3A_122, %dma_start3A_125] : memref<1000000x128xf32, #tpu.memory_space<hbm>> -> memref<256x128xf32, #tpu.memory_space<hbm>>
    tpu.enqueue_dma source(%arg7 : memref<256x128xf32, #tpu.memory_space<vmem>>) target(%dma_start3A_126 : memref<256x128xf32, #tpu.memory_space<hbm>>) target_semaphore(%arg11 : memref<!tpu.dma_semaphore, #tpu.memory_space<semaphore_mem>>)
    %dma_wait3A_127 = arith.constant 0 : i32
    %dma_wait3A_128 = arith.constant 0 : i32
    %dma_wait3A_129 = tpu.memref_slice %arg2[%dma_wait3A_127, %dma_wait3A_128] : memref<64x1000000xf32, #tpu.memory_space<hbm>> -> memref<64x256xf32, #tpu.memory_space<hbm>>
    %dma_wait3A_130 = arith.constant 0 : i32
    %dma_wait3A_131 = arith.constant 0 : i32
    %dma_wait3A_132 = tpu.memref_slice %arg2[%dma_wait3A_130, %dma_wait3A_131] : memref<64x1000000xf32, #tpu.memory_space<hbm>> -> memref<64x256xf32, #tpu.memory_space<hbm>>
    tpu.wait_dma2 semaphore(%arg10 : memref<!tpu.dma_semaphore, #tpu.memory_space<semaphore_mem>>) src(%dma_wait3A_132 : memref<64x256xf32, #tpu.memory_space<hbm>>) dst(%arg6 : memref<64x256xf32, #tpu.memory_space<vmem>>)
    %dma_wait3A_133 = arith.constant 0 : i32
    %dma_wait3A_134 = arith.constant 0 : i32
    %dma_wait3A_135 = tpu.memref_slice %arg4[%dma_wait3A_133, %dma_wait3A_134] : memref<1000000x128xf32, #tpu.memory_space<hbm>> -> memref<256x128xf32, #tpu.memory_space<hbm>>
    %dma_wait3A_136 = arith.constant 0 : i32
    %dma_wait3A_137 = arith.constant 0 : i32
    %dma_wait3A_138 = tpu.memref_slice %arg4[%dma_wait3A_136, %dma_wait3A_137] : memref<1000000x128xf32, #tpu.memory_space<hbm>> -> memref<256x128xf32, #tpu.memory_space<hbm>>
    tpu.wait_dma2 semaphore(%arg12 : memref<!tpu.dma_semaphore, #tpu.memory_space<semaphore_mem>>) src(%arg8 : memref<256x128xf32, #tpu.memory_space<vmem>>) dst(%dma_wait3A_138 : memref<256x128xf32, #tpu.memory_space<hbm>>)
    %add3A_139 = arith.constant 3936 : i32
    %add3A_140 = arith.addi %add3A, %add3A_139 : i32
    %lt3A_141 = arith.constant 3906 : i32
    %lt3A_142 = arith.cmpi slt, %add3A_140, %lt3A_141 : i32
    %jit3A_143 = arith.constant 0 : i32
    %select_n3A_144 = arith.select %lt3A_142, %add3A_140, %jit3A_143 : i32
    %mul3A_145 = arith.constant 256 : i32
    %mul3A_146 = arith.muli %select_n3A_144, %mul3A_145 : i32
    %multiple_of3A_147 = tpu.assume_multiple %mul3A_146, 128 : i32
    %dma_start3A_148 = arith.constant 0 : i32
    %dma_start3A_149 = tpu.memref_slice %arg4[%multiple_of3A_147, %dma_start3A_148] : memref<1000000x128xf32, #tpu.memory_space<hbm>> -> memref<256x128xf32, #tpu.memory_space<hbm>>
    %dma_start3A_150 = arith.constant 0 : i32
    %dma_start3A_151 = tpu.memref_slice %arg4[%multiple_of3A_147, %dma_start3A_150] : memref<1000000x128xf32, #tpu.memory_space<hbm>> -> memref<256x128xf32, #tpu.memory_space<hbm>>
    tpu.enqueue_dma source(%arg8 : memref<256x128xf32, #tpu.memory_space<vmem>>) target(%dma_start3A_151 : memref<256x128xf32, #tpu.memory_space<hbm>>) target_semaphore(%arg12 : memref<!tpu.dma_semaphore, #tpu.memory_space<semaphore_mem>>)
    %dma_wait3A_152 = arith.constant 0 : i32
    %dma_wait3A_153 = arith.constant 0 : i32
    %dma_wait3A_154 = tpu.memref_slice %arg4[%dma_wait3A_152, %dma_wait3A_153] : memref<1000000x128xf32, #tpu.memory_space<hbm>> -> memref<256x128xf32, #tpu.memory_space<hbm>>
    %dma_wait3A_155 = arith.constant 0 : i32
    %dma_wait3A_156 = arith.constant 0 : i32
    %dma_wait3A_157 = tpu.memref_slice %arg4[%dma_wait3A_155, %dma_wait3A_156] : memref<1000000x128xf32, #tpu.memory_space<hbm>> -> memref<256x128xf32, #tpu.memory_space<hbm>>
    tpu.wait_dma2 semaphore(%arg11 : memref<!tpu.dma_semaphore, #tpu.memory_space<semaphore_mem>>) src(%arg7 : memref<256x128xf32, #tpu.memory_space<vmem>>) dst(%dma_wait3A_157 : memref<256x128xf32, #tpu.memory_space<hbm>>)
    %dma_wait3A_158 = arith.constant 0 : i32
    %dma_wait3A_159 = arith.constant 0 : i32
    %dma_wait3A_160 = tpu.memref_slice %arg4[%dma_wait3A_158, %dma_wait3A_159] : memref<1000000x128xf32, #tpu.memory_space<hbm>> -> memref<256x128xf32, #tpu.memory_space<hbm>>
    %dma_wait3A_161 = arith.constant 0 : i32
    %dma_wait3A_162 = arith.constant 0 : i32
    %dma_wait3A_163 = tpu.memref_slice %arg4[%dma_wait3A_161, %dma_wait3A_162] : memref<1000000x128xf32, #tpu.memory_space<hbm>> -> memref<256x128xf32, #tpu.memory_space<hbm>>
    tpu.wait_dma2 semaphore(%arg12 : memref<!tpu.dma_semaphore, #tpu.memory_space<semaphore_mem>>) src(%arg8 : memref<256x128xf32, #tpu.memory_space<vmem>>) dst(%dma_wait3A_163 : memref<256x128xf32, #tpu.memory_space<hbm>>)
    %eq3A = arith.constant 0 : i32
    %eq3A_164 = arith.cmpi eq, %add3A, %eq3A : i32
    %convert_element_type3A = arith.extui %eq3A_164 : i1 to i32
    %cond3A = arith.constant 0 : i32
    %cond3A_165 = arith.cmpi ne, %convert_element_type3A, %cond3A : i32
    scf.if %cond3A_165 {
      "tpu.region"() ({
        %run_scoped3A = tpu.sem_alloc : memref<!tpu.dma_semaphore, #tpu.memory_space<semaphore_mem>>
        %dma_start3A_166 = arith.constant 0 : i32
        %dma_start3A_167 = arith.constant 0 : i32
        %dma_start3A_168 = tpu.memref_slice %arg5[%dma_start3A_166, %dma_start3A_167] : memref<64x256xf32, #tpu.memory_space<vmem>> -> memref<64x128xf32, #tpu.memory_space<vmem>>
        %dma_start3A_169 = arith.constant 0 : i32
        %dma_start3A_170 = arith.constant 0 : i32
        %dma_start3A_171 = tpu.memref_slice %arg5[%dma_start3A_169, %dma_start3A_170] : memref<64x256xf32, #tpu.memory_space<vmem>> -> memref<64x128xf32, #tpu.memory_space<vmem>>
        tpu.enqueue_dma source(%arg3 : memref<64x128xf32, #tpu.memory_space<hbm>>) target(%dma_start3A_171 : memref<64x128xf32, #tpu.memory_space<vmem>>) target_semaphore(%run_scoped3A : memref<!tpu.dma_semaphore, #tpu.memory_space<semaphore_mem>>)
        %dma_wait3A_172 = arith.constant 0 : i32
        %dma_wait3A_173 = arith.constant 0 : i32
        %dma_wait3A_174 = tpu.memref_slice %arg5[%dma_wait3A_172, %dma_wait3A_173] : memref<64x256xf32, #tpu.memory_space<vmem>> -> memref<64x128xf32, #tpu.memory_space<vmem>>
        %dma_wait3A_175 = arith.constant 0 : i32
        %dma_wait3A_176 = arith.constant 0 : i32
        %dma_wait3A_177 = tpu.memref_slice %arg5[%dma_wait3A_175, %dma_wait3A_176] : memref<64x256xf32, #tpu.memory_space<vmem>> -> memref<64x128xf32, #tpu.memory_space<vmem>>
        tpu.wait_dma2 semaphore(%run_scoped3A : memref<!tpu.dma_semaphore, #tpu.memory_space<semaphore_mem>>) src(%arg3 : memref<64x128xf32, #tpu.memory_space<hbm>>) dst(%dma_wait3A_177 : memref<64x128xf32, #tpu.memory_space<vmem>>)
        tpu.yield
      }) : () -> ()
      "tpu.region"() ({
        %run_scoped3A = tpu.sem_alloc : memref<!tpu.dma_semaphore, #tpu.memory_space<semaphore_mem>>
        %dma_start3A_166 = arith.constant 0 : i32
        %dma_start3A_167 = arith.constant 0 : i32
        %dma_start3A_168 = tpu.memref_slice %arg5[%dma_start3A_166, %dma_start3A_167] : memref<64x256xf32, #tpu.memory_space<vmem>> -> memref<64x128xf32, #tpu.memory_space<vmem>>
        %dma_start3A_169 = arith.constant 999936 : i32
        %dma_start3A_170 = arith.constant 0 : i32
        %dma_start3A_171 = tpu.memref_slice %arg4[%dma_start3A_169, %dma_start3A_170] : memref<1000000x128xf32, #tpu.memory_space<hbm>> -> memref<64x128xf32, #tpu.memory_space<hbm>>
        %dma_start3A_172 = arith.constant 999936 : i32
        %dma_start3A_173 = arith.constant 0 : i32
        %dma_start3A_174 = tpu.memref_slice %arg4[%dma_start3A_172, %dma_start3A_173] : memref<1000000x128xf32, #tpu.memory_space<hbm>> -> memref<64x128xf32, #tpu.memory_space<hbm>>
        %dma_start3A_175 = arith.constant 0 : i32
        %dma_start3A_176 = arith.constant 0 : i32
        %dma_start3A_177 = tpu.memref_slice %arg5[%dma_start3A_175, %dma_start3A_176] : memref<64x256xf32, #tpu.memory_space<vmem>> -> memref<64x128xf32, #tpu.memory_space<vmem>>
        tpu.enqueue_dma source(%dma_start3A_177 : memref<64x128xf32, #tpu.memory_space<vmem>>) target(%dma_start3A_174 : memref<64x128xf32, #tpu.memory_space<hbm>>) target_semaphore(%run_scoped3A : memref<!tpu.dma_semaphore, #tpu.memory_space<semaphore_mem>>)
        %dma_wait3A_178 = arith.constant 0 : i32
        %dma_wait3A_179 = arith.constant 0 : i32
        %dma_wait3A_180 = tpu.memref_slice %arg5[%dma_wait3A_178, %dma_wait3A_179] : memref<64x256xf32, #tpu.memory_space<vmem>> -> memref<64x128xf32, #tpu.memory_space<vmem>>
        %dma_wait3A_181 = arith.constant 999936 : i32
        %dma_wait3A_182 = arith.constant 0 : i32
        %dma_wait3A_183 = tpu.memref_slice %arg4[%dma_wait3A_181, %dma_wait3A_182] : memref<1000000x128xf32, #tpu.memory_space<hbm>> -> memref<64x128xf32, #tpu.memory_space<hbm>>
        %dma_wait3A_184 = arith.constant 999936 : i32
        %dma_wait3A_185 = arith.constant 0 : i32
        %dma_wait3A_186 = tpu.memref_slice %arg4[%dma_wait3A_184, %dma_wait3A_185] : memref<1000000x128xf32, #tpu.memory_space<hbm>> -> memref<64x128xf32, #tpu.memory_space<hbm>>
        %dma_wait3A_187 = arith.constant 0 : i32
        %dma_wait3A_188 = arith.constant 0 : i32
        %dma_wait3A_189 = tpu.memref_slice %arg5[%dma_wait3A_187, %dma_wait3A_188] : memref<64x256xf32, #tpu.memory_space<vmem>> -> memref<64x128xf32, #tpu.memory_space<vmem>>
        tpu.wait_dma2 semaphore(%run_scoped3A : memref<!tpu.dma_semaphore, #tpu.memory_space<semaphore_mem>>) src(%dma_wait3A_189 : memref<64x128xf32, #tpu.memory_space<vmem>>) dst(%dma_wait3A_186 : memref<64x128xf32, #tpu.memory_space<hbm>>)
        tpu.yield
      }) : () -> ()
    } else {
    }
    return
  }
}

#map = affine_map<(d0, d1) -> (0, 0)>
#map1 = affine_map<(d0, d1) -> (0, 0, 0)>
module attributes {stable_mosaic.version = 14 : i64} {
  func.func @_gather_kernel(%arg0: i32, %arg1: i32, %arg2: memref<50x16384xi32, #tpu.memory_space<hbm>>, %arg3: memref<1000000x128xf32, #tpu.memory_space<hbm>>, %arg4: memref<50x64x16384xf32, #tpu.memory_space<hbm>>, %arg5: memref<128xi32, #tpu.memory_space<vmem>>, %arg6: memref<128xi32, #tpu.memory_space<vmem>>, %arg7: memref<128xi32, #tpu.memory_space<vmem>>, %arg8: memref<128xi32, #tpu.memory_space<vmem>>, %arg9: memref<128x128xf32, #tpu.memory_space<vmem>>, %arg10: memref<128x128xf32, #tpu.memory_space<vmem>>, %arg11: memref<64x128xf32, #tpu.memory_space<vmem>>, %arg12: memref<64x128xf32, #tpu.memory_space<vmem>>, %arg13: memref<!tpu.dma_semaphore, #tpu.memory_space<semaphore_mem>>, %arg14: memref<!tpu.dma_semaphore, #tpu.memory_space<semaphore_mem>>, %arg15: memref<!tpu.dma_semaphore, #tpu.memory_space<semaphore_mem>>, %arg16: memref<!tpu.dma_semaphore, #tpu.memory_space<semaphore_mem>>, %arg17: memref<!tpu.dma_semaphore, #tpu.memory_space<semaphore_mem>>, %arg18: memref<!tpu.dma_semaphore, #tpu.memory_space<semaphore_mem>>, %arg19: memref<!tpu.dma_semaphore, #tpu.memory_space<semaphore_mem>>, %arg20: memref<!tpu.dma_semaphore, #tpu.memory_space<semaphore_mem>>) attributes {dimension_semantics = [#tpu.dimension_semantics<core_parallel>, #tpu.dimension_semantics<subcore_parallel>], iteration_bounds = array<i64: 2, 16>, scalar_prefetch = 0 : i64, scratch_operands = 16 : i64, tpu.core_type = #tpu.core_type<sc_vector_subcore>, window_params = [{transform_indices = #map}, {transform_indices = #map}, {transform_indices = #map1}]} {
    %mul3A = arith.constant 2 : i32
    %mul3A_0 = arith.muli %arg1, %mul3A : i32
    %add3A = arith.addi %mul3A_0, %arg0 : i32
    %mul3A_1 = arith.constant 512 : i32
    %mul3A_2 = arith.muli %add3A, %mul3A_1 : i32
    %iota3A = tpu.iota {dimensions = array<i32: 0>} : vector<16xi32>
    %add3A_3 = arith.constant 0 : i32
    %add3A_4 = vector.broadcast %add3A_3 : i32 to vector<16xi32>
    %add3A_5 = arith.addi %iota3A, %add3A_4 : vector<16xi32>
    %add3A_6 = arith.constant 16 : i32
    %add3A_7 = vector.broadcast %add3A_6 : i32 to vector<16xi32>
    %add3A_8 = arith.addi %iota3A, %add3A_7 : vector<16xi32>
    %add3A_9 = arith.constant 32 : i32
    %add3A_10 = vector.broadcast %add3A_9 : i32 to vector<16xi32>
    %add3A_11 = arith.addi %iota3A, %add3A_10 : vector<16xi32>
    %add3A_12 = arith.constant 48 : i32
    %add3A_13 = vector.broadcast %add3A_12 : i32 to vector<16xi32>
    %add3A_14 = arith.addi %iota3A, %add3A_13 : vector<16xi32>
    %add3A_15 = arith.constant 64 : i32
    %add3A_16 = vector.broadcast %add3A_15 : i32 to vector<16xi32>
    %add3A_17 = arith.addi %iota3A, %add3A_16 : vector<16xi32>
    %add3A_18 = arith.constant 80 : i32
    %add3A_19 = vector.broadcast %add3A_18 : i32 to vector<16xi32>
    %add3A_20 = arith.addi %iota3A, %add3A_19 : vector<16xi32>
    %add3A_21 = arith.constant 96 : i32
    %add3A_22 = vector.broadcast %add3A_21 : i32 to vector<16xi32>
    %add3A_23 = arith.addi %iota3A, %add3A_22 : vector<16xi32>
    %add3A_24 = arith.constant 112 : i32
    %add3A_25 = vector.broadcast %add3A_24 : i32 to vector<16xi32>
    %add3A_26 = arith.addi %iota3A, %add3A_25 : vector<16xi32>
    %add3A_27 = arith.constant 0 : i32
    %add3A_28 = arith.addi %mul3A_2, %add3A_27 : i32
    %dma_start3A = arith.constant 0 : i32
    %dma_start3A_29 = tpu.memref_slice %arg2[%dma_start3A, %add3A_28] : memref<50x16384xi32, #tpu.memory_space<hbm>> -> memref<1x128xi32, #tpu.memory_space<hbm>>
    %dma_start3A_30 = tpu.memref_squeeze %dma_start3A_29 : memref<1x128xi32, #tpu.memory_space<hbm>> -> memref<128xi32, #tpu.memory_space<hbm>>
    %dma_start3A_31 = tpu.memref_slice %arg2[%dma_start3A, %add3A_28] : memref<50x16384xi32, #tpu.memory_space<hbm>> -> memref<1x128xi32, #tpu.memory_space<hbm>>
    %dma_start3A_32 = tpu.memref_squeeze %dma_start3A_31 : memref<1x128xi32, #tpu.memory_space<hbm>> -> memref<128xi32, #tpu.memory_space<hbm>>
    tpu.enqueue_dma source(%dma_start3A_32 : memref<128xi32, #tpu.memory_space<hbm>>) target(%arg5 : memref<128xi32, #tpu.memory_space<vmem>>) target_semaphore(%arg13 : memref<!tpu.dma_semaphore, #tpu.memory_space<semaphore_mem>>)
    %add3A_33 = arith.constant 0 : i32
    %add3A_34 = arith.addi %mul3A_2, %add3A_33 : i32
    %dma_start3A_35 = arith.constant 1 : i32
    %dma_start3A_36 = tpu.memref_slice %arg2[%dma_start3A_35, %add3A_34] : memref<50x16384xi32, #tpu.memory_space<hbm>> -> memref<1x128xi32, #tpu.memory_space<hbm>>
    %dma_start3A_37 = tpu.memref_squeeze %dma_start3A_36 : memref<1x128xi32, #tpu.memory_space<hbm>> -> memref<128xi32, #tpu.memory_space<hbm>>
    %dma_start3A_38 = tpu.memref_slice %arg2[%dma_start3A_35, %add3A_34] : memref<50x16384xi32, #tpu.memory_space<hbm>> -> memref<1x128xi32, #tpu.memory_space<hbm>>
    %dma_start3A_39 = tpu.memref_squeeze %dma_start3A_38 : memref<1x128xi32, #tpu.memory_space<hbm>> -> memref<128xi32, #tpu.memory_space<hbm>>
    tpu.enqueue_dma source(%dma_start3A_39 : memref<128xi32, #tpu.memory_space<hbm>>) target(%arg6 : memref<128xi32, #tpu.memory_space<vmem>>) target_semaphore(%arg14 : memref<!tpu.dma_semaphore, #tpu.memory_space<semaphore_mem>>)
    %add3A_40 = arith.constant 0 : i32
    %add3A_41 = arith.addi %mul3A_2, %add3A_40 : i32
    %dma_start3A_42 = arith.constant 2 : i32
    %dma_start3A_43 = tpu.memref_slice %arg2[%dma_start3A_42, %add3A_41] : memref<50x16384xi32, #tpu.memory_space<hbm>> -> memref<1x128xi32, #tpu.memory_space<hbm>>
    %dma_start3A_44 = tpu.memref_squeeze %dma_start3A_43 : memref<1x128xi32, #tpu.memory_space<hbm>> -> memref<128xi32, #tpu.memory_space<hbm>>
    %dma_start3A_45 = tpu.memref_slice %arg2[%dma_start3A_42, %add3A_41] : memref<50x16384xi32, #tpu.memory_space<hbm>> -> memref<1x128xi32, #tpu.memory_space<hbm>>
    %dma_start3A_46 = tpu.memref_squeeze %dma_start3A_45 : memref<1x128xi32, #tpu.memory_space<hbm>> -> memref<128xi32, #tpu.memory_space<hbm>>
    tpu.enqueue_dma source(%dma_start3A_46 : memref<128xi32, #tpu.memory_space<hbm>>) target(%arg7 : memref<128xi32, #tpu.memory_space<vmem>>) target_semaphore(%arg15 : memref<!tpu.dma_semaphore, #tpu.memory_space<semaphore_mem>>)
    %add3A_47 = arith.constant 0 : i32
    %add3A_48 = arith.addi %mul3A_2, %add3A_47 : i32
    %dma_start3A_49 = arith.constant 3 : i32
    %dma_start3A_50 = tpu.memref_slice %arg2[%dma_start3A_49, %add3A_48] : memref<50x16384xi32, #tpu.memory_space<hbm>> -> memref<1x128xi32, #tpu.memory_space<hbm>>
    %dma_start3A_51 = tpu.memref_squeeze %dma_start3A_50 : memref<1x128xi32, #tpu.memory_space<hbm>> -> memref<128xi32, #tpu.memory_space<hbm>>
    %dma_start3A_52 = tpu.memref_slice %arg2[%dma_start3A_49, %add3A_48] : memref<50x16384xi32, #tpu.memory_space<hbm>> -> memref<1x128xi32, #tpu.memory_space<hbm>>
    %dma_start3A_53 = tpu.memref_squeeze %dma_start3A_52 : memref<1x128xi32, #tpu.memory_space<hbm>> -> memref<128xi32, #tpu.memory_space<hbm>>
    tpu.enqueue_dma source(%dma_start3A_53 : memref<128xi32, #tpu.memory_space<hbm>>) target(%arg8 : memref<128xi32, #tpu.memory_space<vmem>>) target_semaphore(%arg16 : memref<!tpu.dma_semaphore, #tpu.memory_space<semaphore_mem>>)
    %dma_wait3A = arith.constant 0 : i32
    %dma_wait3A_54 = arith.constant 0 : i32
    %dma_wait3A_55 = tpu.memref_slice %arg2[%dma_wait3A, %dma_wait3A_54] : memref<50x16384xi32, #tpu.memory_space<hbm>> -> memref<1x128xi32, #tpu.memory_space<hbm>>
    %dma_wait3A_56 = tpu.memref_squeeze %dma_wait3A_55 : memref<1x128xi32, #tpu.memory_space<hbm>> -> memref<128xi32, #tpu.memory_space<hbm>>
    %dma_wait3A_57 = arith.constant 0 : i32
    %dma_wait3A_58 = tpu.memref_slice %arg2[%dma_wait3A, %dma_wait3A_57] : memref<50x16384xi32, #tpu.memory_space<hbm>> -> memref<1x128xi32, #tpu.memory_space<hbm>>
    %dma_wait3A_59 = tpu.memref_squeeze %dma_wait3A_58 : memref<1x128xi32, #tpu.memory_space<hbm>> -> memref<128xi32, #tpu.memory_space<hbm>>
    tpu.wait_dma2 semaphore(%arg13 : memref<!tpu.dma_semaphore, #tpu.memory_space<semaphore_mem>>) src(%dma_wait3A_59 : memref<128xi32, #tpu.memory_space<hbm>>) dst(%arg5 : memref<128xi32, #tpu.memory_space<vmem>>)
    %dma_start3A_60 = arith.constant 0 : i32
    %dma_start3A_61 = arith.constant 0 : i32
    %dma_start3A_62 = tpu.memref_slice %arg3[%dma_start3A_60, %dma_start3A_61] : memref<1000000x128xf32, #tpu.memory_space<hbm>> -> memref<1000000x128xf32, #tpu.memory_space<hbm>>
    tpu.enqueue_indirect_dma source(%dma_start3A_62 : memref<1000000x128xf32, #tpu.memory_space<hbm>>) target(%arg9 : memref<128x128xf32, #tpu.memory_space<vmem>>) offsets(%arg5 : memref<128xi32, #tpu.memory_space<vmem>>) semaphore(%arg17 : memref<!tpu.dma_semaphore, #tpu.memory_space<semaphore_mem>>)
    %dma_wait3A_63 = arith.constant 0 : i32
    %dma_wait3A_64 = arith.constant 0 : i32
    %dma_wait3A_65 = tpu.memref_slice %arg2[%dma_wait3A_63, %dma_wait3A_64] : memref<50x16384xi32, #tpu.memory_space<hbm>> -> memref<1x128xi32, #tpu.memory_space<hbm>>
    %dma_wait3A_66 = tpu.memref_squeeze %dma_wait3A_65 : memref<1x128xi32, #tpu.memory_space<hbm>> -> memref<128xi32, #tpu.memory_space<hbm>>
    %dma_wait3A_67 = arith.constant 0 : i32
    %dma_wait3A_68 = tpu.memref_slice %arg2[%dma_wait3A_63, %dma_wait3A_67] : memref<50x16384xi32, #tpu.memory_space<hbm>> -> memref<1x128xi32, #tpu.memory_space<hbm>>
    %dma_wait3A_69 = tpu.memref_squeeze %dma_wait3A_68 : memref<1x128xi32, #tpu.memory_space<hbm>> -> memref<128xi32, #tpu.memory_space<hbm>>
    tpu.wait_dma2 semaphore(%arg14 : memref<!tpu.dma_semaphore, #tpu.memory_space<semaphore_mem>>) src(%dma_wait3A_69 : memref<128xi32, #tpu.memory_space<hbm>>) dst(%arg6 : memref<128xi32, #tpu.memory_space<vmem>>)
    %dma_start3A_70 = arith.constant 0 : i32
    %dma_start3A_71 = arith.constant 0 : i32
    %dma_start3A_72 = tpu.memref_slice %arg3[%dma_start3A_70, %dma_start3A_71] : memref<1000000x128xf32, #tpu.memory_space<hbm>> -> memref<1000000x128xf32, #tpu.memory_space<hbm>>
    tpu.enqueue_indirect_dma source(%dma_start3A_72 : memref<1000000x128xf32, #tpu.memory_space<hbm>>) target(%arg10 : memref<128x128xf32, #tpu.memory_space<vmem>>) offsets(%arg6 : memref<128xi32, #tpu.memory_space<vmem>>) semaphore(%arg18 : memref<!tpu.dma_semaphore, #tpu.memory_space<semaphore_mem>>)
    %dma_wait3A_73 = arith.constant 0 : i32
    %dma_wait3A_74 = arith.constant 0 : i32
    %dma_wait3A_75 = tpu.memref_slice %arg3[%dma_wait3A_73, %dma_wait3A_74] : memref<1000000x128xf32, #tpu.memory_space<hbm>> -> memref<1000000x128xf32, #tpu.memory_space<hbm>>
    tpu.wait_indirect_dma semaphore(%arg17 : memref<!tpu.dma_semaphore, #tpu.memory_space<semaphore_mem>>) src(%dma_wait3A_75 : memref<1000000x128xf32, #tpu.memory_space<hbm>>) dst(%arg9 : memref<128x128xf32, #tpu.memory_space<vmem>>)
    %add3A_76 = arith.constant 0 : i32
    %add3A_77 = arith.addi %mul3A_2, %add3A_76 : i32
    %dma_start3A_78 = arith.constant 4 : i32
    %dma_start3A_79 = tpu.memref_slice %arg2[%dma_start3A_78, %add3A_77] : memref<50x16384xi32, #tpu.memory_space<hbm>> -> memref<1x128xi32, #tpu.memory_space<hbm>>
    %dma_start3A_80 = tpu.memref_squeeze %dma_start3A_79 : memref<1x128xi32, #tpu.memory_space<hbm>> -> memref<128xi32, #tpu.memory_space<hbm>>
    %dma_start3A_81 = tpu.memref_slice %arg2[%dma_start3A_78, %add3A_77] : memref<50x16384xi32, #tpu.memory_space<hbm>> -> memref<1x128xi32, #tpu.memory_space<hbm>>
    %dma_start3A_82 = tpu.memref_squeeze %dma_start3A_81 : memref<1x128xi32, #tpu.memory_space<hbm>> -> memref<128xi32, #tpu.memory_space<hbm>>
    tpu.enqueue_dma source(%dma_start3A_82 : memref<128xi32, #tpu.memory_space<hbm>>) target(%arg5 : memref<128xi32, #tpu.memory_space<vmem>>) target_semaphore(%arg13 : memref<!tpu.dma_semaphore, #tpu.memory_space<semaphore_mem>>)
    %add3A_83 = arith.constant 0 : i32
    %add3A_84 = arith.addi %mul3A_2, %add3A_83 : i32
    %dma_start3A_85 = arith.constant 0 : i32
    %dma_start3A_86 = arith.constant 0 : i32
    %dma_start3A_87 = tpu.memref_slice %arg4[%dma_start3A_85, %dma_start3A_86, %add3A_84] : memref<50x64x16384xf32, #tpu.memory_space<hbm>> -> memref<1x64x128xf32, #tpu.memory_space<hbm>>
    %dma_start3A_88 = tpu.memref_squeeze %dma_start3A_87 : memref<1x64x128xf32, #tpu.memory_space<hbm>> -> memref<64x128xf32, #tpu.memory_space<hbm>>
    %dma_start3A_89 = arith.constant 0 : i32
    %dma_start3A_90 = tpu.memref_slice %arg4[%dma_start3A_85, %dma_start3A_89, %add3A_84] : memref<50x64x16384xf32, #tpu.memory_space<hbm>> -> memref<1x64x128xf32, #tpu.memory_space<hbm>>
    %dma_start3A_91 = tpu.memref_squeeze %dma_start3A_90 : memref<1x64x128xf32, #tpu.memory_space<hbm>> -> memref<64x128xf32, #tpu.memory_space<hbm>>
    tpu.enqueue_dma source(%arg11 : memref<64x128xf32, #tpu.memory_space<vmem>>) target(%dma_start3A_91 : memref<64x128xf32, #tpu.memory_space<hbm>>) target_semaphore(%arg19 : memref<!tpu.dma_semaphore, #tpu.memory_space<semaphore_mem>>)
    %dma_wait3A_92 = arith.constant 0 : i32
    %dma_wait3A_93 = arith.constant 0 : i32
    %dma_wait3A_94 = tpu.memref_slice %arg2[%dma_wait3A_92, %dma_wait3A_93] : memref<50x16384xi32, #tpu.memory_space<hbm>> -> memref<1x128xi32, #tpu.memory_space<hbm>>
    %dma_wait3A_95 = tpu.memref_squeeze %dma_wait3A_94 : memref<1x128xi32, #tpu.memory_space<hbm>> -> memref<128xi32, #tpu.memory_space<hbm>>
    %dma_wait3A_96 = arith.constant 0 : i32
    %dma_wait3A_97 = tpu.memref_slice %arg2[%dma_wait3A_92, %dma_wait3A_96] : memref<50x16384xi32, #tpu.memory_space<hbm>> -> memref<1x128xi32, #tpu.memory_space<hbm>>
    %dma_wait3A_98 = tpu.memref_squeeze %dma_wait3A_97 : memref<1x128xi32, #tpu.memory_space<hbm>> -> memref<128xi32, #tpu.memory_space<hbm>>
    tpu.wait_dma2 semaphore(%arg15 : memref<!tpu.dma_semaphore, #tpu.memory_space<semaphore_mem>>) src(%dma_wait3A_98 : memref<128xi32, #tpu.memory_space<hbm>>) dst(%arg7 : memref<128xi32, #tpu.memory_space<vmem>>)
    %dma_start3A_99 = arith.constant 0 : i32
    %dma_start3A_100 = arith.constant 0 : i32
    %dma_start3A_101 = tpu.memref_slice %arg3[%dma_start3A_99, %dma_start3A_100] : memref<1000000x128xf32, #tpu.memory_space<hbm>> -> memref<1000000x128xf32, #tpu.memory_space<hbm>>
    tpu.enqueue_indirect_dma source(%dma_start3A_101 : memref<1000000x128xf32, #tpu.memory_space<hbm>>) target(%arg9 : memref<128x128xf32, #tpu.memory_space<vmem>>) offsets(%arg7 : memref<128xi32, #tpu.memory_space<vmem>>) semaphore(%arg17 : memref<!tpu.dma_semaphore, #tpu.memory_space<semaphore_mem>>)
    %dma_wait3A_102 = arith.constant 0 : i32
    %dma_wait3A_103 = arith.constant 0 : i32
    %dma_wait3A_104 = tpu.memref_slice %arg3[%dma_wait3A_102, %dma_wait3A_103] : memref<1000000x128xf32, #tpu.memory_space<hbm>> -> memref<1000000x128xf32, #tpu.memory_space<hbm>>
    tpu.wait_indirect_dma semaphore(%arg18 : memref<!tpu.dma_semaphore, #tpu.memory_space<semaphore_mem>>) src(%dma_wait3A_104 : memref<1000000x128xf32, #tpu.memory_space<hbm>>) dst(%arg10 : memref<128x128xf32, #tpu.memory_space<vmem>>)
    %add3A_105 = arith.constant 0 : i32
    %add3A_106 = arith.addi %mul3A_2, %add3A_105 : i32
    %dma_start3A_107 = arith.constant 5 : i32
    %dma_start3A_108 = tpu.memref_slice %arg2[%dma_start3A_107, %add3A_106] : memref<50x16384xi32, #tpu.memory_space<hbm>> -> memref<1x128xi32, #tpu.memory_space<hbm>>
    %dma_start3A_109 = tpu.memref_squeeze %dma_start3A_108 : memref<1x128xi32, #tpu.memory_space<hbm>> -> memref<128xi32, #tpu.memory_space<hbm>>
    %dma_start3A_110 = tpu.memref_slice %arg2[%dma_start3A_107, %add3A_106] : memref<50x16384xi32, #tpu.memory_space<hbm>> -> memref<1x128xi32, #tpu.memory_space<hbm>>
    %dma_start3A_111 = tpu.memref_squeeze %dma_start3A_110 : memref<1x128xi32, #tpu.memory_space<hbm>> -> memref<128xi32, #tpu.memory_space<hbm>>
    tpu.enqueue_dma source(%dma_start3A_111 : memref<128xi32, #tpu.memory_space<hbm>>) target(%arg6 : memref<128xi32, #tpu.memory_space<vmem>>) target_semaphore(%arg14 : memref<!tpu.dma_semaphore, #tpu.memory_space<semaphore_mem>>)
    %add3A_112 = arith.constant 0 : i32
    %add3A_113 = arith.addi %mul3A_2, %add3A_112 : i32
    %dma_start3A_114 = arith.constant 1 : i32
    %dma_start3A_115 = arith.constant 0 : i32
    %dma_start3A_116 = tpu.memref_slice %arg4[%dma_start3A_114, %dma_start3A_115, %add3A_113] : memref<50x64x16384xf32, #tpu.memory_space<hbm>> -> memref<1x64x128xf32, #tpu.memory_space<hbm>>
    %dma_start3A_117 = tpu.memref_squeeze %dma_start3A_116 : memref<1x64x128xf32, #tpu.memory_space<hbm>> -> memref<64x128xf32, #tpu.memory_space<hbm>>
    %dma_start3A_118 = arith.constant 0 : i32
    %dma_start3A_119 = tpu.memref_slice %arg4[%dma_start3A_114, %dma_start3A_118, %add3A_113] : memref<50x64x16384xf32, #tpu.memory_space<hbm>> -> memref<1x64x128xf32, #tpu.memory_space<hbm>>
    %dma_start3A_120 = tpu.memref_squeeze %dma_start3A_119 : memref<1x64x128xf32, #tpu.memory_space<hbm>> -> memref<64x128xf32, #tpu.memory_space<hbm>>
    tpu.enqueue_dma source(%arg12 : memref<64x128xf32, #tpu.memory_space<vmem>>) target(%dma_start3A_120 : memref<64x128xf32, #tpu.memory_space<hbm>>) target_semaphore(%arg20 : memref<!tpu.dma_semaphore, #tpu.memory_space<semaphore_mem>>)
    %dma_wait3A_121 = arith.constant 0 : i32
    %dma_wait3A_122 = arith.constant 0 : i32
    %dma_wait3A_123 = tpu.memref_slice %arg2[%dma_wait3A_121, %dma_wait3A_122] : memref<50x16384xi32, #tpu.memory_space<hbm>> -> memref<1x128xi32, #tpu.memory_space<hbm>>
    %dma_wait3A_124 = tpu.memref_squeeze %dma_wait3A_123 : memref<1x128xi32, #tpu.memory_space<hbm>> -> memref<128xi32, #tpu.memory_space<hbm>>
    %dma_wait3A_125 = arith.constant 0 : i32
    %dma_wait3A_126 = tpu.memref_slice %arg2[%dma_wait3A_121, %dma_wait3A_125] : memref<50x16384xi32, #tpu.memory_space<hbm>> -> memref<1x128xi32, #tpu.memory_space<hbm>>
    %dma_wait3A_127 = tpu.memref_squeeze %dma_wait3A_126 : memref<1x128xi32, #tpu.memory_space<hbm>> -> memref<128xi32, #tpu.memory_space<hbm>>
    tpu.wait_dma2 semaphore(%arg16 : memref<!tpu.dma_semaphore, #tpu.memory_space<semaphore_mem>>) src(%dma_wait3A_127 : memref<128xi32, #tpu.memory_space<hbm>>) dst(%arg8 : memref<128xi32, #tpu.memory_space<vmem>>)
    %dma_start3A_128 = arith.constant 0 : i32
    %dma_start3A_129 = arith.constant 0 : i32
    %dma_start3A_130 = tpu.memref_slice %arg3[%dma_start3A_128, %dma_start3A_129] : memref<1000000x128xf32, #tpu.memory_space<hbm>> -> memref<1000000x128xf32, #tpu.memory_space<hbm>>
    tpu.enqueue_indirect_dma source(%dma_start3A_130 : memref<1000000x128xf32, #tpu.memory_space<hbm>>) target(%arg10 : memref<128x128xf32, #tpu.memory_space<vmem>>) offsets(%arg8 : memref<128xi32, #tpu.memory_space<vmem>>) semaphore(%arg18 : memref<!tpu.dma_semaphore, #tpu.memory_space<semaphore_mem>>)
    %dma_wait3A_131 = arith.constant 0 : i32
    %dma_wait3A_132 = arith.constant 0 : i32
    %dma_wait3A_133 = tpu.memref_slice %arg3[%dma_wait3A_131, %dma_wait3A_132] : memref<1000000x128xf32, #tpu.memory_space<hbm>> -> memref<1000000x128xf32, #tpu.memory_space<hbm>>
    tpu.wait_indirect_dma semaphore(%arg17 : memref<!tpu.dma_semaphore, #tpu.memory_space<semaphore_mem>>) src(%dma_wait3A_133 : memref<1000000x128xf32, #tpu.memory_space<hbm>>) dst(%arg9 : memref<128x128xf32, #tpu.memory_space<vmem>>)
    %add3A_134 = arith.constant 0 : i32
    %add3A_135 = arith.addi %mul3A_2, %add3A_134 : i32
    %dma_start3A_136 = arith.constant 6 : i32
    %dma_start3A_137 = tpu.memref_slice %arg2[%dma_start3A_136, %add3A_135] : memref<50x16384xi32, #tpu.memory_space<hbm>> -> memref<1x128xi32, #tpu.memory_space<hbm>>
    %dma_start3A_138 = tpu.memref_squeeze %dma_start3A_137 : memref<1x128xi32, #tpu.memory_space<hbm>> -> memref<128xi32, #tpu.memory_space<hbm>>
    %dma_start3A_139 = tpu.memref_slice %arg2[%dma_start3A_136, %add3A_135] : memref<50x16384xi32, #tpu.memory_space<hbm>> -> memref<1x128xi32, #tpu.memory_space<hbm>>
    %dma_start3A_140 = tpu.memref_squeeze %dma_start3A_139 : memref<1x128xi32, #tpu.memory_space<hbm>> -> memref<128xi32, #tpu.memory_space<hbm>>
    tpu.enqueue_dma source(%dma_start3A_140 : memref<128xi32, #tpu.memory_space<hbm>>) target(%arg7 : memref<128xi32, #tpu.memory_space<vmem>>) target_semaphore(%arg15 : memref<!tpu.dma_semaphore, #tpu.memory_space<semaphore_mem>>)
    %dma_wait3A_141 = arith.constant 0 : i32
    %dma_wait3A_142 = arith.constant 0 : i32
    %dma_wait3A_143 = arith.constant 0 : i32
    %dma_wait3A_144 = tpu.memref_slice %arg4[%dma_wait3A_141, %dma_wait3A_142, %dma_wait3A_143] : memref<50x64x16384xf32, #tpu.memory_space<hbm>> -> memref<1x64x128xf32, #tpu.memory_space<hbm>>
    %dma_wait3A_145 = tpu.memref_squeeze %dma_wait3A_144 : memref<1x64x128xf32, #tpu.memory_space<hbm>> -> memref<64x128xf32, #tpu.memory_space<hbm>>
    %dma_wait3A_146 = arith.constant 0 : i32
    %dma_wait3A_147 = arith.constant 0 : i32
    %dma_wait3A_148 = tpu.memref_slice %arg4[%dma_wait3A_141, %dma_wait3A_146, %dma_wait3A_147] : memref<50x64x16384xf32, #tpu.memory_space<hbm>> -> memref<1x64x128xf32, #tpu.memory_space<hbm>>
    %dma_wait3A_149 = tpu.memref_squeeze %dma_wait3A_148 : memref<1x64x128xf32, #tpu.memory_space<hbm>> -> memref<64x128xf32, #tpu.memory_space<hbm>>
    tpu.wait_dma2 semaphore(%arg19 : memref<!tpu.dma_semaphore, #tpu.memory_space<semaphore_mem>>) src(%arg11 : memref<64x128xf32, #tpu.memory_space<vmem>>) dst(%dma_wait3A_149 : memref<64x128xf32, #tpu.memory_space<hbm>>)
    %add3A_150 = arith.constant 0 : i32
    %add3A_151 = arith.addi %mul3A_2, %add3A_150 : i32
    %dma_start3A_152 = arith.constant 2 : i32
    %dma_start3A_153 = arith.constant 0 : i32
    %dma_start3A_154 = tpu.memref_slice %arg4[%dma_start3A_152, %dma_start3A_153, %add3A_151] : memref<50x64x16384xf32, #tpu.memory_space<hbm>> -> memref<1x64x128xf32, #tpu.memory_space<hbm>>
    %dma_start3A_155 = tpu.memref_squeeze %dma_start3A_154 : memref<1x64x128xf32, #tpu.memory_space<hbm>> -> memref<64x128xf32, #tpu.memory_space<hbm>>
    %dma_start3A_156 = arith.constant 0 : i32
    %dma_start3A_157 = tpu.memref_slice %arg4[%dma_start3A_152, %dma_start3A_156, %add3A_151] : memref<50x64x16384xf32, #tpu.memory_space<hbm>> -> memref<1x64x128xf32, #tpu.memory_space<hbm>>
    %dma_start3A_158 = tpu.memref_squeeze %dma_start3A_157 : memref<1x64x128xf32, #tpu.memory_space<hbm>> -> memref<64x128xf32, #tpu.memory_space<hbm>>
    tpu.enqueue_dma source(%arg11 : memref<64x128xf32, #tpu.memory_space<vmem>>) target(%dma_start3A_158 : memref<64x128xf32, #tpu.memory_space<hbm>>) target_semaphore(%arg19 : memref<!tpu.dma_semaphore, #tpu.memory_space<semaphore_mem>>)
    %dma_wait3A_159 = arith.constant 0 : i32
    %dma_wait3A_160 = arith.constant 0 : i32
    %dma_wait3A_161 = tpu.memref_slice %arg2[%dma_wait3A_159, %dma_wait3A_160] : memref<50x16384xi32, #tpu.memory_space<hbm>> -> memref<1x128xi32, #tpu.memory_space<hbm>>
    %dma_wait3A_162 = tpu.memref_squeeze %dma_wait3A_161 : memref<1x128xi32, #tpu.memory_space<hbm>> -> memref<128xi32, #tpu.memory_space<hbm>>
    %dma_wait3A_163 = arith.constant 0 : i32
    %dma_wait3A_164 = tpu.memref_slice %arg2[%dma_wait3A_159, %dma_wait3A_163] : memref<50x16384xi32, #tpu.memory_space<hbm>> -> memref<1x128xi32, #tpu.memory_space<hbm>>
    %dma_wait3A_165 = tpu.memref_squeeze %dma_wait3A_164 : memref<1x128xi32, #tpu.memory_space<hbm>> -> memref<128xi32, #tpu.memory_space<hbm>>
    tpu.wait_dma2 semaphore(%arg13 : memref<!tpu.dma_semaphore, #tpu.memory_space<semaphore_mem>>) src(%dma_wait3A_165 : memref<128xi32, #tpu.memory_space<hbm>>) dst(%arg5 : memref<128xi32, #tpu.memory_space<vmem>>)
    %dma_start3A_166 = arith.constant 0 : i32
    %dma_start3A_167 = arith.constant 0 : i32
    %dma_start3A_168 = tpu.memref_slice %arg3[%dma_start3A_166, %dma_start3A_167] : memref<1000000x128xf32, #tpu.memory_space<hbm>> -> memref<1000000x128xf32, #tpu.memory_space<hbm>>
    tpu.enqueue_indirect_dma source(%dma_start3A_168 : memref<1000000x128xf32, #tpu.memory_space<hbm>>) target(%arg9 : memref<128x128xf32, #tpu.memory_space<vmem>>) offsets(%arg5 : memref<128xi32, #tpu.memory_space<vmem>>) semaphore(%arg17 : memref<!tpu.dma_semaphore, #tpu.memory_space<semaphore_mem>>)
    %dma_wait3A_169 = arith.constant 0 : i32
    %dma_wait3A_170 = arith.constant 0 : i32
    %dma_wait3A_171 = tpu.memref_slice %arg3[%dma_wait3A_169, %dma_wait3A_170] : memref<1000000x128xf32, #tpu.memory_space<hbm>> -> memref<1000000x128xf32, #tpu.memory_space<hbm>>
    tpu.wait_indirect_dma semaphore(%arg18 : memref<!tpu.dma_semaphore, #tpu.memory_space<semaphore_mem>>) src(%dma_wait3A_171 : memref<1000000x128xf32, #tpu.memory_space<hbm>>) dst(%arg10 : memref<128x128xf32, #tpu.memory_space<vmem>>)
    %add3A_172 = arith.constant 0 : i32
    %add3A_173 = arith.addi %mul3A_2, %add3A_172 : i32
    %dma_start3A_174 = arith.constant 7 : i32
    %dma_start3A_175 = tpu.memref_slice %arg2[%dma_start3A_174, %add3A_173] : memref<50x16384xi32, #tpu.memory_space<hbm>> -> memref<1x128xi32, #tpu.memory_space<hbm>>
    %dma_start3A_176 = tpu.memref_squeeze %dma_start3A_175 : memref<1x128xi32, #tpu.memory_space<hbm>> -> memref<128xi32, #tpu.memory_space<hbm>>
    %dma_start3A_177 = tpu.memref_slice %arg2[%dma_start3A_174, %add3A_173] : memref<50x16384xi32, #tpu.memory_space<hbm>> -> memref<1x128xi32, #tpu.memory_space<hbm>>
    %dma_start3A_178 = tpu.memref_squeeze %dma_start3A_177 : memref<1x128xi32, #tpu.memory_space<hbm>> -> memref<128xi32, #tpu.memory_space<hbm>>
    tpu.enqueue_dma source(%dma_start3A_178 : memref<128xi32, #tpu.memory_space<hbm>>) target(%arg8 : memref<128xi32, #tpu.memory_space<vmem>>) target_semaphore(%arg16 : memref<!tpu.dma_semaphore, #tpu.memory_space<semaphore_mem>>)
    %dma_wait3A_179 = arith.constant 0 : i32
    %dma_wait3A_180 = arith.constant 0 : i32
    %dma_wait3A_181 = arith.constant 0 : i32
    %dma_wait3A_182 = tpu.memref_slice %arg4[%dma_wait3A_179, %dma_wait3A_180, %dma_wait3A_181] : memref<50x64x16384xf32, #tpu.memory_space<hbm>> -> memref<1x64x128xf32, #tpu.memory_space<hbm>>
    %dma_wait3A_183 = tpu.memref_squeeze %dma_wait3A_182 : memref<1x64x128xf32, #tpu.memory_space<hbm>> -> memref<64x128xf32, #tpu.memory_space<hbm>>
    %dma_wait3A_184 = arith.constant 0 : i32
    %dma_wait3A_185 = arith.constant 0 : i32
    %dma_wait3A_186 = tpu.memref_slice %arg4[%dma_wait3A_179, %dma_wait3A_184, %dma_wait3A_185] : memref<50x64x16384xf32, #tpu.memory_space<hbm>> -> memref<1x64x128xf32, #tpu.memory_space<hbm>>
    %dma_wait3A_187 = tpu.memref_squeeze %dma_wait3A_186 : memref<1x64x128xf32, #tpu.memory_space<hbm>> -> memref<64x128xf32, #tpu.memory_space<hbm>>
    tpu.wait_dma2 semaphore(%arg20 : memref<!tpu.dma_semaphore, #tpu.memory_space<semaphore_mem>>) src(%arg12 : memref<64x128xf32, #tpu.memory_space<vmem>>) dst(%dma_wait3A_187 : memref<64x128xf32, #tpu.memory_space<hbm>>)
    %add3A_188 = arith.constant 0 : i32
    %add3A_189 = arith.addi %mul3A_2, %add3A_188 : i32
    %dma_start3A_190 = arith.constant 3 : i32
    %dma_start3A_191 = arith.constant 0 : i32
    %dma_start3A_192 = tpu.memref_slice %arg4[%dma_start3A_190, %dma_start3A_191, %add3A_189] : memref<50x64x16384xf32, #tpu.memory_space<hbm>> -> memref<1x64x128xf32, #tpu.memory_space<hbm>>
    %dma_start3A_193 = tpu.memref_squeeze %dma_start3A_192 : memref<1x64x128xf32, #tpu.memory_space<hbm>> -> memref<64x128xf32, #tpu.memory_space<hbm>>
    %dma_start3A_194 = arith.constant 0 : i32
    %dma_start3A_195 = tpu.memref_slice %arg4[%dma_start3A_190, %dma_start3A_194, %add3A_189] : memref<50x64x16384xf32, #tpu.memory_space<hbm>> -> memref<1x64x128xf32, #tpu.memory_space<hbm>>
    %dma_start3A_196 = tpu.memref_squeeze %dma_start3A_195 : memref<1x64x128xf32, #tpu.memory_space<hbm>> -> memref<64x128xf32, #tpu.memory_space<hbm>>
    tpu.enqueue_dma source(%arg12 : memref<64x128xf32, #tpu.memory_space<vmem>>) target(%dma_start3A_196 : memref<64x128xf32, #tpu.memory_space<hbm>>) target_semaphore(%arg20 : memref<!tpu.dma_semaphore, #tpu.memory_space<semaphore_mem>>)
    %dma_wait3A_197 = arith.constant 0 : i32
    %dma_wait3A_198 = arith.constant 0 : i32
    %dma_wait3A_199 = tpu.memref_slice %arg2[%dma_wait3A_197, %dma_wait3A_198] : memref<50x16384xi32, #tpu.memory_space<hbm>> -> memref<1x128xi32, #tpu.memory_space<hbm>>
    %dma_wait3A_200 = tpu.memref_squeeze %dma_wait3A_199 : memref<1x128xi32, #tpu.memory_space<hbm>> -> memref<128xi32, #tpu.memory_space<hbm>>
    %dma_wait3A_201 = arith.constant 0 : i32
    %dma_wait3A_202 = tpu.memref_slice %arg2[%dma_wait3A_197, %dma_wait3A_201] : memref<50x16384xi32, #tpu.memory_space<hbm>> -> memref<1x128xi32, #tpu.memory_space<hbm>>
    %dma_wait3A_203 = tpu.memref_squeeze %dma_wait3A_202 : memref<1x128xi32, #tpu.memory_space<hbm>> -> memref<128xi32, #tpu.memory_space<hbm>>
    tpu.wait_dma2 semaphore(%arg14 : memref<!tpu.dma_semaphore, #tpu.memory_space<semaphore_mem>>) src(%dma_wait3A_203 : memref<128xi32, #tpu.memory_space<hbm>>) dst(%arg6 : memref<128xi32, #tpu.memory_space<vmem>>)
    %dma_start3A_204 = arith.constant 0 : i32
    %dma_start3A_205 = arith.constant 0 : i32
    %dma_start3A_206 = tpu.memref_slice %arg3[%dma_start3A_204, %dma_start3A_205] : memref<1000000x128xf32, #tpu.memory_space<hbm>> -> memref<1000000x128xf32, #tpu.memory_space<hbm>>
    tpu.enqueue_indirect_dma source(%dma_start3A_206 : memref<1000000x128xf32, #tpu.memory_space<hbm>>) target(%arg10 : memref<128x128xf32, #tpu.memory_space<vmem>>) offsets(%arg6 : memref<128xi32, #tpu.memory_space<vmem>>) semaphore(%arg18 : memref<!tpu.dma_semaphore, #tpu.memory_space<semaphore_mem>>)
    %scan3A = arith.constant 0 : i32
    %scan3A_207 = arith.constant 1 : i32
    %scan3A_208 = arith.constant 48 : i32
    %scan3A_209 = arith.addi %scan3A_207, %scan3A_208 : i32
    %scan3A_210 = arith.constant 1 : i32
    scf.for %scan3A_334 = %scan3A_207 to %scan3A_209 step %scan3A_210  : i32 {
      %mul3A_335 = arith.constant 4 : i32
      %mul3A_336 = arith.muli %mul3A_335, %scan3A_334 : i32
      %dma_wait3A_337 = arith.constant 0 : i32
      %dma_wait3A_338 = arith.constant 0 : i32
      %dma_wait3A_339 = tpu.memref_slice %arg3[%dma_wait3A_337, %dma_wait3A_338] : memref<1000000x128xf32, #tpu.memory_space<hbm>> -> memref<1000000x128xf32, #tpu.memory_space<hbm>>
      tpu.wait_indirect_dma semaphore(%arg17 : memref<!tpu.dma_semaphore, #tpu.memory_space<semaphore_mem>>) src(%dma_wait3A_339 : memref<1000000x128xf32, #tpu.memory_space<hbm>>) dst(%arg9 : memref<128x128xf32, #tpu.memory_space<vmem>>)
      %add3A_340 = arith.constant 4 : i32
      %add3A_341 = arith.addi %mul3A_336, %add3A_340 : i32
      %jit3A = arith.constant 50 : i32
      %div3A = arith.divsi %add3A_341, %jit3A : i32
      %sign3A = arith.constant 0 : i32
      %sign3A_342 = arith.cmpi sgt, %add3A_341, %sign3A : i32
      %sign3A_343 = arith.extui %sign3A_342 : i1 to i32
      %sign3A_344 = arith.constant 0 : i32
      %sign3A_345 = arith.cmpi slt, %add3A_341, %sign3A_344 : i32
      %sign3A_346 = arith.extui %sign3A_345 : i1 to i32
      %sign3A_347 = arith.subi %sign3A_343, %sign3A_346 : i32
      %sign3A_348 = arith.constant 0 : i32
      %sign3A_349 = arith.cmpi sgt, %jit3A, %sign3A_348 : i32
      %sign3A_350 = arith.extui %sign3A_349 : i1 to i32
      %sign3A_351 = arith.constant 0 : i32
      %sign3A_352 = arith.cmpi slt, %jit3A, %sign3A_351 : i32
      %sign3A_353 = arith.extui %sign3A_352 : i1 to i32
      %sign3A_354 = arith.subi %sign3A_350, %sign3A_353 : i32
      %ne3A = arith.cmpi ne, %sign3A_347, %sign3A_354 : i32
      %rem3A = arith.remsi %add3A_341, %jit3A : i32
      %ne3A_355 = arith.constant 0 : i32
      %ne3A_356 = arith.cmpi ne, %rem3A, %ne3A_355 : i32
      %and3A = arith.andi %ne3A, %ne3A_356 : i1
      %sub3A = arith.constant 1 : i32
      %sub3A_357 = arith.subi %div3A, %sub3A : i32
      %select_n3A = arith.select %and3A, %sub3A_357, %div3A : i32
      %mul3A_358 = arith.constant 50 : i32
      %mul3A_359 = arith.muli %select_n3A, %mul3A_358 : i32
      %sub3A_360 = arith.subi %add3A_341, %mul3A_359 : i32
      %mul3A_361 = arith.constant 128 : i32
      %mul3A_362 = arith.muli %select_n3A, %mul3A_361 : i32
      %add3A_363 = arith.addi %mul3A_2, %mul3A_362 : i32
      %dma_start3A_364 = tpu.memref_slice %arg2[%sub3A_360, %add3A_363] : memref<50x16384xi32, #tpu.memory_space<hbm>> -> memref<1x128xi32, #tpu.memory_space<hbm>>
      %dma_start3A_365 = tpu.memref_squeeze %dma_start3A_364 : memref<1x128xi32, #tpu.memory_space<hbm>> -> memref<128xi32, #tpu.memory_space<hbm>>
      %dma_start3A_366 = tpu.memref_slice %arg2[%sub3A_360, %add3A_363] : memref<50x16384xi32, #tpu.memory_space<hbm>> -> memref<1x128xi32, #tpu.memory_space<hbm>>
      %dma_start3A_367 = tpu.memref_squeeze %dma_start3A_366 : memref<1x128xi32, #tpu.memory_space<hbm>> -> memref<128xi32, #tpu.memory_space<hbm>>
      tpu.enqueue_dma source(%dma_start3A_367 : memref<128xi32, #tpu.memory_space<hbm>>) target(%arg5 : memref<128xi32, #tpu.memory_space<vmem>>) target_semaphore(%arg13 : memref<!tpu.dma_semaphore, #tpu.memory_space<semaphore_mem>>)
      %dma_wait3A_368 = arith.constant 0 : i32
      %dma_wait3A_369 = arith.constant 0 : i32
      %dma_wait3A_370 = arith.constant 0 : i32
      %dma_wait3A_371 = tpu.memref_slice %arg4[%dma_wait3A_368, %dma_wait3A_369, %dma_wait3A_370] : memref<50x64x16384xf32, #tpu.memory_space<hbm>> -> memref<1x64x128xf32, #tpu.memory_space<hbm>>
      %dma_wait3A_372 = tpu.memref_squeeze %dma_wait3A_371 : memref<1x64x128xf32, #tpu.memory_space<hbm>> -> memref<64x128xf32, #tpu.memory_space<hbm>>
      %dma_wait3A_373 = arith.constant 0 : i32
      %dma_wait3A_374 = arith.constant 0 : i32
      %dma_wait3A_375 = tpu.memref_slice %arg4[%dma_wait3A_368, %dma_wait3A_373, %dma_wait3A_374] : memref<50x64x16384xf32, #tpu.memory_space<hbm>> -> memref<1x64x128xf32, #tpu.memory_space<hbm>>
      %dma_wait3A_376 = tpu.memref_squeeze %dma_wait3A_375 : memref<1x64x128xf32, #tpu.memory_space<hbm>> -> memref<64x128xf32, #tpu.memory_space<hbm>>
      tpu.wait_dma2 semaphore(%arg19 : memref<!tpu.dma_semaphore, #tpu.memory_space<semaphore_mem>>) src(%arg11 : memref<64x128xf32, #tpu.memory_space<vmem>>) dst(%dma_wait3A_376 : memref<64x128xf32, #tpu.memory_space<hbm>>)
      %jit3A_377 = arith.constant 50 : i32
      %div3A_378 = arith.divsi %mul3A_336, %jit3A_377 : i32
      %sign3A_379 = arith.constant 0 : i32
      %sign3A_380 = arith.cmpi sgt, %mul3A_336, %sign3A_379 : i32
      %sign3A_381 = arith.extui %sign3A_380 : i1 to i32
      %sign3A_382 = arith.constant 0 : i32
      %sign3A_383 = arith.cmpi slt, %mul3A_336, %sign3A_382 : i32
      %sign3A_384 = arith.extui %sign3A_383 : i1 to i32
      %sign3A_385 = arith.subi %sign3A_381, %sign3A_384 : i32
      %sign3A_386 = arith.constant 0 : i32
      %sign3A_387 = arith.cmpi sgt, %jit3A_377, %sign3A_386 : i32
      %sign3A_388 = arith.extui %sign3A_387 : i1 to i32
      %sign3A_389 = arith.constant 0 : i32
      %sign3A_390 = arith.cmpi slt, %jit3A_377, %sign3A_389 : i32
      %sign3A_391 = arith.extui %sign3A_390 : i1 to i32
      %sign3A_392 = arith.subi %sign3A_388, %sign3A_391 : i32
      %ne3A_393 = arith.cmpi ne, %sign3A_385, %sign3A_392 : i32
      %rem3A_394 = arith.remsi %mul3A_336, %jit3A_377 : i32
      %ne3A_395 = arith.constant 0 : i32
      %ne3A_396 = arith.cmpi ne, %rem3A_394, %ne3A_395 : i32
      %and3A_397 = arith.andi %ne3A_393, %ne3A_396 : i1
      %sub3A_398 = arith.constant 1 : i32
      %sub3A_399 = arith.subi %div3A_378, %sub3A_398 : i32
      %select_n3A_400 = arith.select %and3A_397, %sub3A_399, %div3A_378 : i32
      %mul3A_401 = arith.constant 50 : i32
      %mul3A_402 = arith.muli %select_n3A_400, %mul3A_401 : i32
      %sub3A_403 = arith.subi %mul3A_336, %mul3A_402 : i32
      %mul3A_404 = arith.constant 128 : i32
      %mul3A_405 = arith.muli %select_n3A_400, %mul3A_404 : i32
      %add3A_406 = arith.addi %mul3A_2, %mul3A_405 : i32
      %dma_start3A_407 = arith.constant 0 : i32
      %dma_start3A_408 = tpu.memref_slice %arg4[%sub3A_403, %dma_start3A_407, %add3A_406] : memref<50x64x16384xf32, #tpu.memory_space<hbm>> -> memref<1x64x128xf32, #tpu.memory_space<hbm>>
      %dma_start3A_409 = tpu.memref_squeeze %dma_start3A_408 : memref<1x64x128xf32, #tpu.memory_space<hbm>> -> memref<64x128xf32, #tpu.memory_space<hbm>>
      %dma_start3A_410 = arith.constant 0 : i32
      %dma_start3A_411 = tpu.memref_slice %arg4[%sub3A_403, %dma_start3A_410, %add3A_406] : memref<50x64x16384xf32, #tpu.memory_space<hbm>> -> memref<1x64x128xf32, #tpu.memory_space<hbm>>
      %dma_start3A_412 = tpu.memref_squeeze %dma_start3A_411 : memref<1x64x128xf32, #tpu.memory_space<hbm>> -> memref<64x128xf32, #tpu.memory_space<hbm>>
      tpu.enqueue_dma source(%arg11 : memref<64x128xf32, #tpu.memory_space<vmem>>) target(%dma_start3A_412 : memref<64x128xf32, #tpu.memory_space<hbm>>) target_semaphore(%arg19 : memref<!tpu.dma_semaphore, #tpu.memory_space<semaphore_mem>>)
      %dma_wait3A_413 = arith.constant 0 : i32
      %dma_wait3A_414 = arith.constant 0 : i32
      %dma_wait3A_415 = tpu.memref_slice %arg2[%dma_wait3A_413, %dma_wait3A_414] : memref<50x16384xi32, #tpu.memory_space<hbm>> -> memref<1x128xi32, #tpu.memory_space<hbm>>
      %dma_wait3A_416 = tpu.memref_squeeze %dma_wait3A_415 : memref<1x128xi32, #tpu.memory_space<hbm>> -> memref<128xi32, #tpu.memory_space<hbm>>
      %dma_wait3A_417 = arith.constant 0 : i32
      %dma_wait3A_418 = tpu.memref_slice %arg2[%dma_wait3A_413, %dma_wait3A_417] : memref<50x16384xi32, #tpu.memory_space<hbm>> -> memref<1x128xi32, #tpu.memory_space<hbm>>
      %dma_wait3A_419 = tpu.memref_squeeze %dma_wait3A_418 : memref<1x128xi32, #tpu.memory_space<hbm>> -> memref<128xi32, #tpu.memory_space<hbm>>
      tpu.wait_dma2 semaphore(%arg15 : memref<!tpu.dma_semaphore, #tpu.memory_space<semaphore_mem>>) src(%dma_wait3A_419 : memref<128xi32, #tpu.memory_space<hbm>>) dst(%arg7 : memref<128xi32, #tpu.memory_space<vmem>>)
      %dma_start3A_420 = arith.constant 0 : i32
      %dma_start3A_421 = arith.constant 0 : i32
      %dma_start3A_422 = tpu.memref_slice %arg3[%dma_start3A_420, %dma_start3A_421] : memref<1000000x128xf32, #tpu.memory_space<hbm>> -> memref<1000000x128xf32, #tpu.memory_space<hbm>>
      tpu.enqueue_indirect_dma source(%dma_start3A_422 : memref<1000000x128xf32, #tpu.memory_space<hbm>>) target(%arg9 : memref<128x128xf32, #tpu.memory_space<vmem>>) offsets(%arg7 : memref<128xi32, #tpu.memory_space<vmem>>) semaphore(%arg17 : memref<!tpu.dma_semaphore, #tpu.memory_space<semaphore_mem>>)
      %dma_wait3A_423 = arith.constant 0 : i32
      %dma_wait3A_424 = arith.constant 0 : i32
      %dma_wait3A_425 = tpu.memref_slice %arg3[%dma_wait3A_423, %dma_wait3A_424] : memref<1000000x128xf32, #tpu.memory_space<hbm>> -> memref<1000000x128xf32, #tpu.memory_space<hbm>>
      tpu.wait_indirect_dma semaphore(%arg18 : memref<!tpu.dma_semaphore, #tpu.memory_space<semaphore_mem>>) src(%dma_wait3A_425 : memref<1000000x128xf32, #tpu.memory_space<hbm>>) dst(%arg10 : memref<128x128xf32, #tpu.memory_space<vmem>>)
      %add3A_426 = arith.constant 5 : i32
      %add3A_427 = arith.addi %mul3A_336, %add3A_426 : i32
      %jit3A_428 = arith.constant 50 : i32
      %div3A_429 = arith.divsi %add3A_427, %jit3A_428 : i32
      %sign3A_430 = arith.constant 0 : i32
      %sign3A_431 = arith.cmpi sgt, %add3A_427, %sign3A_430 : i32
      %sign3A_432 = arith.extui %sign3A_431 : i1 to i32
      %sign3A_433 = arith.constant 0 : i32
      %sign3A_434 = arith.cmpi slt, %add3A_427, %sign3A_433 : i32
      %sign3A_435 = arith.extui %sign3A_434 : i1 to i32
      %sign3A_436 = arith.subi %sign3A_432, %sign3A_435 : i32
      %sign3A_437 = arith.constant 0 : i32
      %sign3A_438 = arith.cmpi sgt, %jit3A_428, %sign3A_437 : i32
      %sign3A_439 = arith.extui %sign3A_438 : i1 to i32
      %sign3A_440 = arith.constant 0 : i32
      %sign3A_441 = arith.cmpi slt, %jit3A_428, %sign3A_440 : i32
      %sign3A_442 = arith.extui %sign3A_441 : i1 to i32
      %sign3A_443 = arith.subi %sign3A_439, %sign3A_442 : i32
      %ne3A_444 = arith.cmpi ne, %sign3A_436, %sign3A_443 : i32
      %rem3A_445 = arith.remsi %add3A_427, %jit3A_428 : i32
      %ne3A_446 = arith.constant 0 : i32
      %ne3A_447 = arith.cmpi ne, %rem3A_445, %ne3A_446 : i32
      %and3A_448 = arith.andi %ne3A_444, %ne3A_447 : i1
      %sub3A_449 = arith.constant 1 : i32
      %sub3A_450 = arith.subi %div3A_429, %sub3A_449 : i32
      %select_n3A_451 = arith.select %and3A_448, %sub3A_450, %div3A_429 : i32
      %mul3A_452 = arith.constant 50 : i32
      %mul3A_453 = arith.muli %select_n3A_451, %mul3A_452 : i32
      %sub3A_454 = arith.subi %add3A_427, %mul3A_453 : i32
      %mul3A_455 = arith.constant 128 : i32
      %mul3A_456 = arith.muli %select_n3A_451, %mul3A_455 : i32
      %add3A_457 = arith.addi %mul3A_2, %mul3A_456 : i32
      %dma_start3A_458 = tpu.memref_slice %arg2[%sub3A_454, %add3A_457] : memref<50x16384xi32, #tpu.memory_space<hbm>> -> memref<1x128xi32, #tpu.memory_space<hbm>>
      %dma_start3A_459 = tpu.memref_squeeze %dma_start3A_458 : memref<1x128xi32, #tpu.memory_space<hbm>> -> memref<128xi32, #tpu.memory_space<hbm>>
      %dma_start3A_460 = tpu.memref_slice %arg2[%sub3A_454, %add3A_457] : memref<50x16384xi32, #tpu.memory_space<hbm>> -> memref<1x128xi32, #tpu.memory_space<hbm>>
      %dma_start3A_461 = tpu.memref_squeeze %dma_start3A_460 : memref<1x128xi32, #tpu.memory_space<hbm>> -> memref<128xi32, #tpu.memory_space<hbm>>
      tpu.enqueue_dma source(%dma_start3A_461 : memref<128xi32, #tpu.memory_space<hbm>>) target(%arg6 : memref<128xi32, #tpu.memory_space<vmem>>) target_semaphore(%arg14 : memref<!tpu.dma_semaphore, #tpu.memory_space<semaphore_mem>>)
      %dma_wait3A_462 = arith.constant 0 : i32
      %dma_wait3A_463 = arith.constant 0 : i32
      %dma_wait3A_464 = arith.constant 0 : i32
      %dma_wait3A_465 = tpu.memref_slice %arg4[%dma_wait3A_462, %dma_wait3A_463, %dma_wait3A_464] : memref<50x64x16384xf32, #tpu.memory_space<hbm>> -> memref<1x64x128xf32, #tpu.memory_space<hbm>>
      %dma_wait3A_466 = tpu.memref_squeeze %dma_wait3A_465 : memref<1x64x128xf32, #tpu.memory_space<hbm>> -> memref<64x128xf32, #tpu.memory_space<hbm>>
      %dma_wait3A_467 = arith.constant 0 : i32
      %dma_wait3A_468 = arith.constant 0 : i32
      %dma_wait3A_469 = tpu.memref_slice %arg4[%dma_wait3A_462, %dma_wait3A_467, %dma_wait3A_468] : memref<50x64x16384xf32, #tpu.memory_space<hbm>> -> memref<1x64x128xf32, #tpu.memory_space<hbm>>
      %dma_wait3A_470 = tpu.memref_squeeze %dma_wait3A_469 : memref<1x64x128xf32, #tpu.memory_space<hbm>> -> memref<64x128xf32, #tpu.memory_space<hbm>>
      tpu.wait_dma2 semaphore(%arg20 : memref<!tpu.dma_semaphore, #tpu.memory_space<semaphore_mem>>) src(%arg12 : memref<64x128xf32, #tpu.memory_space<vmem>>) dst(%dma_wait3A_470 : memref<64x128xf32, #tpu.memory_space<hbm>>)
      %add3A_471 = arith.constant 1 : i32
      %add3A_472 = arith.addi %mul3A_336, %add3A_471 : i32
      %jit3A_473 = arith.constant 50 : i32
      %div3A_474 = arith.divsi %add3A_472, %jit3A_473 : i32
      %sign3A_475 = arith.constant 0 : i32
      %sign3A_476 = arith.cmpi sgt, %add3A_472, %sign3A_475 : i32
      %sign3A_477 = arith.extui %sign3A_476 : i1 to i32
      %sign3A_478 = arith.constant 0 : i32
      %sign3A_479 = arith.cmpi slt, %add3A_472, %sign3A_478 : i32
      %sign3A_480 = arith.extui %sign3A_479 : i1 to i32
      %sign3A_481 = arith.subi %sign3A_477, %sign3A_480 : i32
      %sign3A_482 = arith.constant 0 : i32
      %sign3A_483 = arith.cmpi sgt, %jit3A_473, %sign3A_482 : i32
      %sign3A_484 = arith.extui %sign3A_483 : i1 to i32
      %sign3A_485 = arith.constant 0 : i32
      %sign3A_486 = arith.cmpi slt, %jit3A_473, %sign3A_485 : i32
      %sign3A_487 = arith.extui %sign3A_486 : i1 to i32
      %sign3A_488 = arith.subi %sign3A_484, %sign3A_487 : i32
      %ne3A_489 = arith.cmpi ne, %sign3A_481, %sign3A_488 : i32
      %rem3A_490 = arith.remsi %add3A_472, %jit3A_473 : i32
      %ne3A_491 = arith.constant 0 : i32
      %ne3A_492 = arith.cmpi ne, %rem3A_490, %ne3A_491 : i32
      %and3A_493 = arith.andi %ne3A_489, %ne3A_492 : i1
      %sub3A_494 = arith.constant 1 : i32
      %sub3A_495 = arith.subi %div3A_474, %sub3A_494 : i32
      %select_n3A_496 = arith.select %and3A_493, %sub3A_495, %div3A_474 : i32
      %mul3A_497 = arith.constant 50 : i32
      %mul3A_498 = arith.muli %select_n3A_496, %mul3A_497 : i32
      %sub3A_499 = arith.subi %add3A_472, %mul3A_498 : i32
      %mul3A_500 = arith.constant 128 : i32
      %mul3A_501 = arith.muli %select_n3A_496, %mul3A_500 : i32
      %add3A_502 = arith.addi %mul3A_2, %mul3A_501 : i32
      %dma_start3A_503 = arith.constant 0 : i32
      %dma_start3A_504 = tpu.memref_slice %arg4[%sub3A_499, %dma_start3A_503, %add3A_502] : memref<50x64x16384xf32, #tpu.memory_space<hbm>> -> memref<1x64x128xf32, #tpu.memory_space<hbm>>
      %dma_start3A_505 = tpu.memref_squeeze %dma_start3A_504 : memref<1x64x128xf32, #tpu.memory_space<hbm>> -> memref<64x128xf32, #tpu.memory_space<hbm>>
      %dma_start3A_506 = arith.constant 0 : i32
      %dma_start3A_507 = tpu.memref_slice %arg4[%sub3A_499, %dma_start3A_506, %add3A_502] : memref<50x64x16384xf32, #tpu.memory_space<hbm>> -> memref<1x64x128xf32, #tpu.memory_space<hbm>>
      %dma_start3A_508 = tpu.memref_squeeze %dma_start3A_507 : memref<1x64x128xf32, #tpu.memory_space<hbm>> -> memref<64x128xf32, #tpu.memory_space<hbm>>
      tpu.enqueue_dma source(%arg12 : memref<64x128xf32, #tpu.memory_space<vmem>>) target(%dma_start3A_508 : memref<64x128xf32, #tpu.memory_space<hbm>>) target_semaphore(%arg20 : memref<!tpu.dma_semaphore, #tpu.memory_space<semaphore_mem>>)
      %dma_wait3A_509 = arith.constant 0 : i32
      %dma_wait3A_510 = arith.constant 0 : i32
      %dma_wait3A_511 = tpu.memref_slice %arg2[%dma_wait3A_509, %dma_wait3A_510] : memref<50x16384xi32, #tpu.memory_space<hbm>> -> memref<1x128xi32, #tpu.memory_space<hbm>>
      %dma_wait3A_512 = tpu.memref_squeeze %dma_wait3A_511 : memref<1x128xi32, #tpu.memory_space<hbm>> -> memref<128xi32, #tpu.memory_space<hbm>>
      %dma_wait3A_513 = arith.constant 0 : i32
      %dma_wait3A_514 = tpu.memref_slice %arg2[%dma_wait3A_509, %dma_wait3A_513] : memref<50x16384xi32, #tpu.memory_space<hbm>> -> memref<1x128xi32, #tpu.memory_space<hbm>>
      %dma_wait3A_515 = tpu.memref_squeeze %dma_wait3A_514 : memref<1x128xi32, #tpu.memory_space<hbm>> -> memref<128xi32, #tpu.memory_space<hbm>>
      tpu.wait_dma2 semaphore(%arg16 : memref<!tpu.dma_semaphore, #tpu.memory_space<semaphore_mem>>) src(%dma_wait3A_515 : memref<128xi32, #tpu.memory_space<hbm>>) dst(%arg8 : memref<128xi32, #tpu.memory_space<vmem>>)
      %dma_start3A_516 = arith.constant 0 : i32
      %dma_start3A_517 = arith.constant 0 : i32
      %dma_start3A_518 = tpu.memref_slice %arg3[%dma_start3A_516, %dma_start3A_517] : memref<1000000x128xf32, #tpu.memory_space<hbm>> -> memref<1000000x128xf32, #tpu.memory_space<hbm>>
      tpu.enqueue_indirect_dma source(%dma_start3A_518 : memref<1000000x128xf32, #tpu.memory_space<hbm>>) target(%arg10 : memref<128x128xf32, #tpu.memory_space<vmem>>) offsets(%arg8 : memref<128xi32, #tpu.memory_space<vmem>>) semaphore(%arg18 : memref<!tpu.dma_semaphore, #tpu.memory_space<semaphore_mem>>)
      %dma_wait3A_519 = arith.constant 0 : i32
      %dma_wait3A_520 = arith.constant 0 : i32
      %dma_wait3A_521 = tpu.memref_slice %arg3[%dma_wait3A_519, %dma_wait3A_520] : memref<1000000x128xf32, #tpu.memory_space<hbm>> -> memref<1000000x128xf32, #tpu.memory_space<hbm>>
      tpu.wait_indirect_dma semaphore(%arg17 : memref<!tpu.dma_semaphore, #tpu.memory_space<semaphore_mem>>) src(%dma_wait3A_521 : memref<1000000x128xf32, #tpu.memory_space<hbm>>) dst(%arg9 : memref<128x128xf32, #tpu.memory_space<vmem>>)
      %add3A_522 = arith.constant 6 : i32
      %add3A_523 = arith.addi %mul3A_336, %add3A_522 : i32
      %jit3A_524 = arith.constant 50 : i32
      %div3A_525 = arith.divsi %add3A_523, %jit3A_524 : i32
      %sign3A_526 = arith.constant 0 : i32
      %sign3A_527 = arith.cmpi sgt, %add3A_523, %sign3A_526 : i32
      %sign3A_528 = arith.extui %sign3A_527 : i1 to i32
      %sign3A_529 = arith.constant 0 : i32
      %sign3A_530 = arith.cmpi slt, %add3A_523, %sign3A_529 : i32
      %sign3A_531 = arith.extui %sign3A_530 : i1 to i32
      %sign3A_532 = arith.subi %sign3A_528, %sign3A_531 : i32
      %sign3A_533 = arith.constant 0 : i32
      %sign3A_534 = arith.cmpi sgt, %jit3A_524, %sign3A_533 : i32
      %sign3A_535 = arith.extui %sign3A_534 : i1 to i32
      %sign3A_536 = arith.constant 0 : i32
      %sign3A_537 = arith.cmpi slt, %jit3A_524, %sign3A_536 : i32
      %sign3A_538 = arith.extui %sign3A_537 : i1 to i32
      %sign3A_539 = arith.subi %sign3A_535, %sign3A_538 : i32
      %ne3A_540 = arith.cmpi ne, %sign3A_532, %sign3A_539 : i32
      %rem3A_541 = arith.remsi %add3A_523, %jit3A_524 : i32
      %ne3A_542 = arith.constant 0 : i32
      %ne3A_543 = arith.cmpi ne, %rem3A_541, %ne3A_542 : i32
      %and3A_544 = arith.andi %ne3A_540, %ne3A_543 : i1
      %sub3A_545 = arith.constant 1 : i32
      %sub3A_546 = arith.subi %div3A_525, %sub3A_545 : i32
      %select_n3A_547 = arith.select %and3A_544, %sub3A_546, %div3A_525 : i32
      %mul3A_548 = arith.constant 50 : i32
      %mul3A_549 = arith.muli %select_n3A_547, %mul3A_548 : i32
      %sub3A_550 = arith.subi %add3A_523, %mul3A_549 : i32
      %mul3A_551 = arith.constant 128 : i32
      %mul3A_552 = arith.muli %select_n3A_547, %mul3A_551 : i32
      %add3A_553 = arith.addi %mul3A_2, %mul3A_552 : i32
      %dma_start3A_554 = tpu.memref_slice %arg2[%sub3A_550, %add3A_553] : memref<50x16384xi32, #tpu.memory_space<hbm>> -> memref<1x128xi32, #tpu.memory_space<hbm>>
      %dma_start3A_555 = tpu.memref_squeeze %dma_start3A_554 : memref<1x128xi32, #tpu.memory_space<hbm>> -> memref<128xi32, #tpu.memory_space<hbm>>
      %dma_start3A_556 = tpu.memref_slice %arg2[%sub3A_550, %add3A_553] : memref<50x16384xi32, #tpu.memory_space<hbm>> -> memref<1x128xi32, #tpu.memory_space<hbm>>
      %dma_start3A_557 = tpu.memref_squeeze %dma_start3A_556 : memref<1x128xi32, #tpu.memory_space<hbm>> -> memref<128xi32, #tpu.memory_space<hbm>>
      tpu.enqueue_dma source(%dma_start3A_557 : memref<128xi32, #tpu.memory_space<hbm>>) target(%arg7 : memref<128xi32, #tpu.memory_space<vmem>>) target_semaphore(%arg15 : memref<!tpu.dma_semaphore, #tpu.memory_space<semaphore_mem>>)
      %dma_wait3A_558 = arith.constant 0 : i32
      %dma_wait3A_559 = arith.constant 0 : i32
      %dma_wait3A_560 = arith.constant 0 : i32
      %dma_wait3A_561 = tpu.memref_slice %arg4[%dma_wait3A_558, %dma_wait3A_559, %dma_wait3A_560] : memref<50x64x16384xf32, #tpu.memory_space<hbm>> -> memref<1x64x128xf32, #tpu.memory_space<hbm>>
      %dma_wait3A_562 = tpu.memref_squeeze %dma_wait3A_561 : memref<1x64x128xf32, #tpu.memory_space<hbm>> -> memref<64x128xf32, #tpu.memory_space<hbm>>
      %dma_wait3A_563 = arith.constant 0 : i32
      %dma_wait3A_564 = arith.constant 0 : i32
      %dma_wait3A_565 = tpu.memref_slice %arg4[%dma_wait3A_558, %dma_wait3A_563, %dma_wait3A_564] : memref<50x64x16384xf32, #tpu.memory_space<hbm>> -> memref<1x64x128xf32, #tpu.memory_space<hbm>>
      %dma_wait3A_566 = tpu.memref_squeeze %dma_wait3A_565 : memref<1x64x128xf32, #tpu.memory_space<hbm>> -> memref<64x128xf32, #tpu.memory_space<hbm>>
      tpu.wait_dma2 semaphore(%arg19 : memref<!tpu.dma_semaphore, #tpu.memory_space<semaphore_mem>>) src(%arg11 : memref<64x128xf32, #tpu.memory_space<vmem>>) dst(%dma_wait3A_566 : memref<64x128xf32, #tpu.memory_space<hbm>>)
      %add3A_567 = arith.constant 2 : i32
      %add3A_568 = arith.addi %mul3A_336, %add3A_567 : i32
      %jit3A_569 = arith.constant 50 : i32
      %div3A_570 = arith.divsi %add3A_568, %jit3A_569 : i32
      %sign3A_571 = arith.constant 0 : i32
      %sign3A_572 = arith.cmpi sgt, %add3A_568, %sign3A_571 : i32
      %sign3A_573 = arith.extui %sign3A_572 : i1 to i32
      %sign3A_574 = arith.constant 0 : i32
      %sign3A_575 = arith.cmpi slt, %add3A_568, %sign3A_574 : i32
      %sign3A_576 = arith.extui %sign3A_575 : i1 to i32
      %sign3A_577 = arith.subi %sign3A_573, %sign3A_576 : i32
      %sign3A_578 = arith.constant 0 : i32
      %sign3A_579 = arith.cmpi sgt, %jit3A_569, %sign3A_578 : i32
      %sign3A_580 = arith.extui %sign3A_579 : i1 to i32
      %sign3A_581 = arith.constant 0 : i32
      %sign3A_582 = arith.cmpi slt, %jit3A_569, %sign3A_581 : i32
      %sign3A_583 = arith.extui %sign3A_582 : i1 to i32
      %sign3A_584 = arith.subi %sign3A_580, %sign3A_583 : i32
      %ne3A_585 = arith.cmpi ne, %sign3A_577, %sign3A_584 : i32
      %rem3A_586 = arith.remsi %add3A_568, %jit3A_569 : i32
      %ne3A_587 = arith.constant 0 : i32
      %ne3A_588 = arith.cmpi ne, %rem3A_586, %ne3A_587 : i32
      %and3A_589 = arith.andi %ne3A_585, %ne3A_588 : i1
      %sub3A_590 = arith.constant 1 : i32
      %sub3A_591 = arith.subi %div3A_570, %sub3A_590 : i32
      %select_n3A_592 = arith.select %and3A_589, %sub3A_591, %div3A_570 : i32
      %mul3A_593 = arith.constant 50 : i32
      %mul3A_594 = arith.muli %select_n3A_592, %mul3A_593 : i32
      %sub3A_595 = arith.subi %add3A_568, %mul3A_594 : i32
      %mul3A_596 = arith.constant 128 : i32
      %mul3A_597 = arith.muli %select_n3A_592, %mul3A_596 : i32
      %add3A_598 = arith.addi %mul3A_2, %mul3A_597 : i32
      %dma_start3A_599 = arith.constant 0 : i32
      %dma_start3A_600 = tpu.memref_slice %arg4[%sub3A_595, %dma_start3A_599, %add3A_598] : memref<50x64x16384xf32, #tpu.memory_space<hbm>> -> memref<1x64x128xf32, #tpu.memory_space<hbm>>
      %dma_start3A_601 = tpu.memref_squeeze %dma_start3A_600 : memref<1x64x128xf32, #tpu.memory_space<hbm>> -> memref<64x128xf32, #tpu.memory_space<hbm>>
      %dma_start3A_602 = arith.constant 0 : i32
      %dma_start3A_603 = tpu.memref_slice %arg4[%sub3A_595, %dma_start3A_602, %add3A_598] : memref<50x64x16384xf32, #tpu.memory_space<hbm>> -> memref<1x64x128xf32, #tpu.memory_space<hbm>>
      %dma_start3A_604 = tpu.memref_squeeze %dma_start3A_603 : memref<1x64x128xf32, #tpu.memory_space<hbm>> -> memref<64x128xf32, #tpu.memory_space<hbm>>
      tpu.enqueue_dma source(%arg11 : memref<64x128xf32, #tpu.memory_space<vmem>>) target(%dma_start3A_604 : memref<64x128xf32, #tpu.memory_space<hbm>>) target_semaphore(%arg19 : memref<!tpu.dma_semaphore, #tpu.memory_space<semaphore_mem>>)
      %dma_wait3A_605 = arith.constant 0 : i32
      %dma_wait3A_606 = arith.constant 0 : i32
      %dma_wait3A_607 = tpu.memref_slice %arg2[%dma_wait3A_605, %dma_wait3A_606] : memref<50x16384xi32, #tpu.memory_space<hbm>> -> memref<1x128xi32, #tpu.memory_space<hbm>>
      %dma_wait3A_608 = tpu.memref_squeeze %dma_wait3A_607 : memref<1x128xi32, #tpu.memory_space<hbm>> -> memref<128xi32, #tpu.memory_space<hbm>>
      %dma_wait3A_609 = arith.constant 0 : i32
      %dma_wait3A_610 = tpu.memref_slice %arg2[%dma_wait3A_605, %dma_wait3A_609] : memref<50x16384xi32, #tpu.memory_space<hbm>> -> memref<1x128xi32, #tpu.memory_space<hbm>>
      %dma_wait3A_611 = tpu.memref_squeeze %dma_wait3A_610 : memref<1x128xi32, #tpu.memory_space<hbm>> -> memref<128xi32, #tpu.memory_space<hbm>>
      tpu.wait_dma2 semaphore(%arg13 : memref<!tpu.dma_semaphore, #tpu.memory_space<semaphore_mem>>) src(%dma_wait3A_611 : memref<128xi32, #tpu.memory_space<hbm>>) dst(%arg5 : memref<128xi32, #tpu.memory_space<vmem>>)
      %dma_start3A_612 = arith.constant 0 : i32
      %dma_start3A_613 = arith.constant 0 : i32
      %dma_start3A_614 = tpu.memref_slice %arg3[%dma_start3A_612, %dma_start3A_613] : memref<1000000x128xf32, #tpu.memory_space<hbm>> -> memref<1000000x128xf32, #tpu.memory_space<hbm>>
      tpu.enqueue_indirect_dma source(%dma_start3A_614 : memref<1000000x128xf32, #tpu.memory_space<hbm>>) target(%arg9 : memref<128x128xf32, #tpu.memory_space<vmem>>) offsets(%arg5 : memref<128xi32, #tpu.memory_space<vmem>>) semaphore(%arg17 : memref<!tpu.dma_semaphore, #tpu.memory_space<semaphore_mem>>)
      %dma_wait3A_615 = arith.constant 0 : i32
      %dma_wait3A_616 = arith.constant 0 : i32
      %dma_wait3A_617 = tpu.memref_slice %arg3[%dma_wait3A_615, %dma_wait3A_616] : memref<1000000x128xf32, #tpu.memory_space<hbm>> -> memref<1000000x128xf32, #tpu.memory_space<hbm>>
      tpu.wait_indirect_dma semaphore(%arg18 : memref<!tpu.dma_semaphore, #tpu.memory_space<semaphore_mem>>) src(%dma_wait3A_617 : memref<1000000x128xf32, #tpu.memory_space<hbm>>) dst(%arg10 : memref<128x128xf32, #tpu.memory_space<vmem>>)
      %add3A_618 = arith.constant 7 : i32
      %add3A_619 = arith.addi %mul3A_336, %add3A_618 : i32
      %jit3A_620 = arith.constant 50 : i32
      %div3A_621 = arith.divsi %add3A_619, %jit3A_620 : i32
      %sign3A_622 = arith.constant 0 : i32
      %sign3A_623 = arith.cmpi sgt, %add3A_619, %sign3A_622 : i32
      %sign3A_624 = arith.extui %sign3A_623 : i1 to i32
      %sign3A_625 = arith.constant 0 : i32
      %sign3A_626 = arith.cmpi slt, %add3A_619, %sign3A_625 : i32
      %sign3A_627 = arith.extui %sign3A_626 : i1 to i32
      %sign3A_628 = arith.subi %sign3A_624, %sign3A_627 : i32
      %sign3A_629 = arith.constant 0 : i32
      %sign3A_630 = arith.cmpi sgt, %jit3A_620, %sign3A_629 : i32
      %sign3A_631 = arith.extui %sign3A_630 : i1 to i32
      %sign3A_632 = arith.constant 0 : i32
      %sign3A_633 = arith.cmpi slt, %jit3A_620, %sign3A_632 : i32
      %sign3A_634 = arith.extui %sign3A_633 : i1 to i32
      %sign3A_635 = arith.subi %sign3A_631, %sign3A_634 : i32
      %ne3A_636 = arith.cmpi ne, %sign3A_628, %sign3A_635 : i32
      %rem3A_637 = arith.remsi %add3A_619, %jit3A_620 : i32
      %ne3A_638 = arith.constant 0 : i32
      %ne3A_639 = arith.cmpi ne, %rem3A_637, %ne3A_638 : i32
      %and3A_640 = arith.andi %ne3A_636, %ne3A_639 : i1
      %sub3A_641 = arith.constant 1 : i32
      %sub3A_642 = arith.subi %div3A_621, %sub3A_641 : i32
      %select_n3A_643 = arith.select %and3A_640, %sub3A_642, %div3A_621 : i32
      %mul3A_644 = arith.constant 50 : i32
      %mul3A_645 = arith.muli %select_n3A_643, %mul3A_644 : i32
      %sub3A_646 = arith.subi %add3A_619, %mul3A_645 : i32
      %mul3A_647 = arith.constant 128 : i32
      %mul3A_648 = arith.muli %select_n3A_643, %mul3A_647 : i32
      %add3A_649 = arith.addi %mul3A_2, %mul3A_648 : i32
      %dma_start3A_650 = tpu.memref_slice %arg2[%sub3A_646, %add3A_649] : memref<50x16384xi32, #tpu.memory_space<hbm>> -> memref<1x128xi32, #tpu.memory_space<hbm>>
      %dma_start3A_651 = tpu.memref_squeeze %dma_start3A_650 : memref<1x128xi32, #tpu.memory_space<hbm>> -> memref<128xi32, #tpu.memory_space<hbm>>
      %dma_start3A_652 = tpu.memref_slice %arg2[%sub3A_646, %add3A_649] : memref<50x16384xi32, #tpu.memory_space<hbm>> -> memref<1x128xi32, #tpu.memory_space<hbm>>
      %dma_start3A_653 = tpu.memref_squeeze %dma_start3A_652 : memref<1x128xi32, #tpu.memory_space<hbm>> -> memref<128xi32, #tpu.memory_space<hbm>>
      tpu.enqueue_dma source(%dma_start3A_653 : memref<128xi32, #tpu.memory_space<hbm>>) target(%arg8 : memref<128xi32, #tpu.memory_space<vmem>>) target_semaphore(%arg16 : memref<!tpu.dma_semaphore, #tpu.memory_space<semaphore_mem>>)
      %dma_wait3A_654 = arith.constant 0 : i32
      %dma_wait3A_655 = arith.constant 0 : i32
      %dma_wait3A_656 = arith.constant 0 : i32
      %dma_wait3A_657 = tpu.memref_slice %arg4[%dma_wait3A_654, %dma_wait3A_655, %dma_wait3A_656] : memref<50x64x16384xf32, #tpu.memory_space<hbm>> -> memref<1x64x128xf32, #tpu.memory_space<hbm>>
      %dma_wait3A_658 = tpu.memref_squeeze %dma_wait3A_657 : memref<1x64x128xf32, #tpu.memory_space<hbm>> -> memref<64x128xf32, #tpu.memory_space<hbm>>
      %dma_wait3A_659 = arith.constant 0 : i32
      %dma_wait3A_660 = arith.constant 0 : i32
      %dma_wait3A_661 = tpu.memref_slice %arg4[%dma_wait3A_654, %dma_wait3A_659, %dma_wait3A_660] : memref<50x64x16384xf32, #tpu.memory_space<hbm>> -> memref<1x64x128xf32, #tpu.memory_space<hbm>>
      %dma_wait3A_662 = tpu.memref_squeeze %dma_wait3A_661 : memref<1x64x128xf32, #tpu.memory_space<hbm>> -> memref<64x128xf32, #tpu.memory_space<hbm>>
      tpu.wait_dma2 semaphore(%arg20 : memref<!tpu.dma_semaphore, #tpu.memory_space<semaphore_mem>>) src(%arg12 : memref<64x128xf32, #tpu.memory_space<vmem>>) dst(%dma_wait3A_662 : memref<64x128xf32, #tpu.memory_space<hbm>>)
      %add3A_663 = arith.constant 3 : i32
      %add3A_664 = arith.addi %mul3A_336, %add3A_663 : i32
      %jit3A_665 = arith.constant 50 : i32
      %div3A_666 = arith.divsi %add3A_664, %jit3A_665 : i32
      %sign3A_667 = arith.constant 0 : i32
      %sign3A_668 = arith.cmpi sgt, %add3A_664, %sign3A_667 : i32
      %sign3A_669 = arith.extui %sign3A_668 : i1 to i32
      %sign3A_670 = arith.constant 0 : i32
      %sign3A_671 = arith.cmpi slt, %add3A_664, %sign3A_670 : i32
      %sign3A_672 = arith.extui %sign3A_671 : i1 to i32
      %sign3A_673 = arith.subi %sign3A_669, %sign3A_672 : i32
      %sign3A_674 = arith.constant 0 : i32
      %sign3A_675 = arith.cmpi sgt, %jit3A_665, %sign3A_674 : i32
      %sign3A_676 = arith.extui %sign3A_675 : i1 to i32
      %sign3A_677 = arith.constant 0 : i32
      %sign3A_678 = arith.cmpi slt, %jit3A_665, %sign3A_677 : i32
      %sign3A_679 = arith.extui %sign3A_678 : i1 to i32
      %sign3A_680 = arith.subi %sign3A_676, %sign3A_679 : i32
      %ne3A_681 = arith.cmpi ne, %sign3A_673, %sign3A_680 : i32
      %rem3A_682 = arith.remsi %add3A_664, %jit3A_665 : i32
      %ne3A_683 = arith.constant 0 : i32
      %ne3A_684 = arith.cmpi ne, %rem3A_682, %ne3A_683 : i32
      %and3A_685 = arith.andi %ne3A_681, %ne3A_684 : i1
      %sub3A_686 = arith.constant 1 : i32
      %sub3A_687 = arith.subi %div3A_666, %sub3A_686 : i32
      %select_n3A_688 = arith.select %and3A_685, %sub3A_687, %div3A_666 : i32
      %mul3A_689 = arith.constant 50 : i32
      %mul3A_690 = arith.muli %select_n3A_688, %mul3A_689 : i32
      %sub3A_691 = arith.subi %add3A_664, %mul3A_690 : i32
      %mul3A_692 = arith.constant 128 : i32
      %mul3A_693 = arith.muli %select_n3A_688, %mul3A_692 : i32
      %add3A_694 = arith.addi %mul3A_2, %mul3A_693 : i32
      %dma_start3A_695 = arith.constant 0 : i32
      %dma_start3A_696 = tpu.memref_slice %arg4[%sub3A_691, %dma_start3A_695, %add3A_694] : memref<50x64x16384xf32, #tpu.memory_space<hbm>> -> memref<1x64x128xf32, #tpu.memory_space<hbm>>
      %dma_start3A_697 = tpu.memref_squeeze %dma_start3A_696 : memref<1x64x128xf32, #tpu.memory_space<hbm>> -> memref<64x128xf32, #tpu.memory_space<hbm>>
      %dma_start3A_698 = arith.constant 0 : i32
      %dma_start3A_699 = tpu.memref_slice %arg4[%sub3A_691, %dma_start3A_698, %add3A_694] : memref<50x64x16384xf32, #tpu.memory_space<hbm>> -> memref<1x64x128xf32, #tpu.memory_space<hbm>>
      %dma_start3A_700 = tpu.memref_squeeze %dma_start3A_699 : memref<1x64x128xf32, #tpu.memory_space<hbm>> -> memref<64x128xf32, #tpu.memory_space<hbm>>
      tpu.enqueue_dma source(%arg12 : memref<64x128xf32, #tpu.memory_space<vmem>>) target(%dma_start3A_700 : memref<64x128xf32, #tpu.memory_space<hbm>>) target_semaphore(%arg20 : memref<!tpu.dma_semaphore, #tpu.memory_space<semaphore_mem>>)
      %dma_wait3A_701 = arith.constant 0 : i32
      %dma_wait3A_702 = arith.constant 0 : i32
      %dma_wait3A_703 = tpu.memref_slice %arg2[%dma_wait3A_701, %dma_wait3A_702] : memref<50x16384xi32, #tpu.memory_space<hbm>> -> memref<1x128xi32, #tpu.memory_space<hbm>>
      %dma_wait3A_704 = tpu.memref_squeeze %dma_wait3A_703 : memref<1x128xi32, #tpu.memory_space<hbm>> -> memref<128xi32, #tpu.memory_space<hbm>>
      %dma_wait3A_705 = arith.constant 0 : i32
      %dma_wait3A_706 = tpu.memref_slice %arg2[%dma_wait3A_701, %dma_wait3A_705] : memref<50x16384xi32, #tpu.memory_space<hbm>> -> memref<1x128xi32, #tpu.memory_space<hbm>>
      %dma_wait3A_707 = tpu.memref_squeeze %dma_wait3A_706 : memref<1x128xi32, #tpu.memory_space<hbm>> -> memref<128xi32, #tpu.memory_space<hbm>>
      tpu.wait_dma2 semaphore(%arg14 : memref<!tpu.dma_semaphore, #tpu.memory_space<semaphore_mem>>) src(%dma_wait3A_707 : memref<128xi32, #tpu.memory_space<hbm>>) dst(%arg6 : memref<128xi32, #tpu.memory_space<vmem>>)
      %dma_start3A_708 = arith.constant 0 : i32
      %dma_start3A_709 = arith.constant 0 : i32
      %dma_start3A_710 = tpu.memref_slice %arg3[%dma_start3A_708, %dma_start3A_709] : memref<1000000x128xf32, #tpu.memory_space<hbm>> -> memref<1000000x128xf32, #tpu.memory_space<hbm>>
      tpu.enqueue_indirect_dma source(%dma_start3A_710 : memref<1000000x128xf32, #tpu.memory_space<hbm>>) target(%arg10 : memref<128x128xf32, #tpu.memory_space<vmem>>) offsets(%arg6 : memref<128xi32, #tpu.memory_space<vmem>>) semaphore(%arg18 : memref<!tpu.dma_semaphore, #tpu.memory_space<semaphore_mem>>)
    }
    %scan3A_211 = arith.constant 48 : i32
    %dma_wait3A_212 = arith.constant 0 : i32
    %dma_wait3A_213 = arith.constant 0 : i32
    %dma_wait3A_214 = tpu.memref_slice %arg3[%dma_wait3A_212, %dma_wait3A_213] : memref<1000000x128xf32, #tpu.memory_space<hbm>> -> memref<1000000x128xf32, #tpu.memory_space<hbm>>
    tpu.wait_indirect_dma semaphore(%arg17 : memref<!tpu.dma_semaphore, #tpu.memory_space<semaphore_mem>>) src(%dma_wait3A_214 : memref<1000000x128xf32, #tpu.memory_space<hbm>>) dst(%arg9 : memref<128x128xf32, #tpu.memory_space<vmem>>)
    %dma_wait3A_215 = arith.constant 0 : i32
    %dma_wait3A_216 = arith.constant 0 : i32
    %dma_wait3A_217 = arith.constant 0 : i32
    %dma_wait3A_218 = tpu.memref_slice %arg4[%dma_wait3A_215, %dma_wait3A_216, %dma_wait3A_217] : memref<50x64x16384xf32, #tpu.memory_space<hbm>> -> memref<1x64x128xf32, #tpu.memory_space<hbm>>
    %dma_wait3A_219 = tpu.memref_squeeze %dma_wait3A_218 : memref<1x64x128xf32, #tpu.memory_space<hbm>> -> memref<64x128xf32, #tpu.memory_space<hbm>>
    %dma_wait3A_220 = arith.constant 0 : i32
    %dma_wait3A_221 = arith.constant 0 : i32
    %dma_wait3A_222 = tpu.memref_slice %arg4[%dma_wait3A_215, %dma_wait3A_220, %dma_wait3A_221] : memref<50x64x16384xf32, #tpu.memory_space<hbm>> -> memref<1x64x128xf32, #tpu.memory_space<hbm>>
    %dma_wait3A_223 = tpu.memref_squeeze %dma_wait3A_222 : memref<1x64x128xf32, #tpu.memory_space<hbm>> -> memref<64x128xf32, #tpu.memory_space<hbm>>
    tpu.wait_dma2 semaphore(%arg19 : memref<!tpu.dma_semaphore, #tpu.memory_space<semaphore_mem>>) src(%arg11 : memref<64x128xf32, #tpu.memory_space<vmem>>) dst(%dma_wait3A_223 : memref<64x128xf32, #tpu.memory_space<hbm>>)
    %add3A_224 = arith.constant 384 : i32
    %add3A_225 = arith.addi %mul3A_2, %add3A_224 : i32
    %dma_start3A_226 = arith.constant 46 : i32
    %dma_start3A_227 = arith.constant 0 : i32
    %dma_start3A_228 = tpu.memref_slice %arg4[%dma_start3A_226, %dma_start3A_227, %add3A_225] : memref<50x64x16384xf32, #tpu.memory_space<hbm>> -> memref<1x64x128xf32, #tpu.memory_space<hbm>>
    %dma_start3A_229 = tpu.memref_squeeze %dma_start3A_228 : memref<1x64x128xf32, #tpu.memory_space<hbm>> -> memref<64x128xf32, #tpu.memory_space<hbm>>
    %dma_start3A_230 = arith.constant 0 : i32
    %dma_start3A_231 = tpu.memref_slice %arg4[%dma_start3A_226, %dma_start3A_230, %add3A_225] : memref<50x64x16384xf32, #tpu.memory_space<hbm>> -> memref<1x64x128xf32, #tpu.memory_space<hbm>>
    %dma_start3A_232 = tpu.memref_squeeze %dma_start3A_231 : memref<1x64x128xf32, #tpu.memory_space<hbm>> -> memref<64x128xf32, #tpu.memory_space<hbm>>
    tpu.enqueue_dma source(%arg11 : memref<64x128xf32, #tpu.memory_space<vmem>>) target(%dma_start3A_232 : memref<64x128xf32, #tpu.memory_space<hbm>>) target_semaphore(%arg19 : memref<!tpu.dma_semaphore, #tpu.memory_space<semaphore_mem>>)
    %dma_wait3A_233 = arith.constant 0 : i32
    %dma_wait3A_234 = arith.constant 0 : i32
    %dma_wait3A_235 = tpu.memref_slice %arg2[%dma_wait3A_233, %dma_wait3A_234] : memref<50x16384xi32, #tpu.memory_space<hbm>> -> memref<1x128xi32, #tpu.memory_space<hbm>>
    %dma_wait3A_236 = tpu.memref_squeeze %dma_wait3A_235 : memref<1x128xi32, #tpu.memory_space<hbm>> -> memref<128xi32, #tpu.memory_space<hbm>>
    %dma_wait3A_237 = arith.constant 0 : i32
    %dma_wait3A_238 = tpu.memref_slice %arg2[%dma_wait3A_233, %dma_wait3A_237] : memref<50x16384xi32, #tpu.memory_space<hbm>> -> memref<1x128xi32, #tpu.memory_space<hbm>>
    %dma_wait3A_239 = tpu.memref_squeeze %dma_wait3A_238 : memref<1x128xi32, #tpu.memory_space<hbm>> -> memref<128xi32, #tpu.memory_space<hbm>>
    tpu.wait_dma2 semaphore(%arg15 : memref<!tpu.dma_semaphore, #tpu.memory_space<semaphore_mem>>) src(%dma_wait3A_239 : memref<128xi32, #tpu.memory_space<hbm>>) dst(%arg7 : memref<128xi32, #tpu.memory_space<vmem>>)
    %dma_start3A_240 = arith.constant 0 : i32
    %dma_start3A_241 = arith.constant 0 : i32
    %dma_start3A_242 = tpu.memref_slice %arg3[%dma_start3A_240, %dma_start3A_241] : memref<1000000x128xf32, #tpu.memory_space<hbm>> -> memref<1000000x128xf32, #tpu.memory_space<hbm>>
    tpu.enqueue_indirect_dma source(%dma_start3A_242 : memref<1000000x128xf32, #tpu.memory_space<hbm>>) target(%arg9 : memref<128x128xf32, #tpu.memory_space<vmem>>) offsets(%arg7 : memref<128xi32, #tpu.memory_space<vmem>>) semaphore(%arg17 : memref<!tpu.dma_semaphore, #tpu.memory_space<semaphore_mem>>)
    %dma_wait3A_243 = arith.constant 0 : i32
    %dma_wait3A_244 = arith.constant 0 : i32
    %dma_wait3A_245 = tpu.memref_slice %arg3[%dma_wait3A_243, %dma_wait3A_244] : memref<1000000x128xf32, #tpu.memory_space<hbm>> -> memref<1000000x128xf32, #tpu.memory_space<hbm>>
    tpu.wait_indirect_dma semaphore(%arg18 : memref<!tpu.dma_semaphore, #tpu.memory_space<semaphore_mem>>) src(%dma_wait3A_245 : memref<1000000x128xf32, #tpu.memory_space<hbm>>) dst(%arg10 : memref<128x128xf32, #tpu.memory_space<vmem>>)
    %dma_wait3A_246 = arith.constant 0 : i32
    %dma_wait3A_247 = arith.constant 0 : i32
    %dma_wait3A_248 = arith.constant 0 : i32
    %dma_wait3A_249 = tpu.memref_slice %arg4[%dma_wait3A_246, %dma_wait3A_247, %dma_wait3A_248] : memref<50x64x16384xf32, #tpu.memory_space<hbm>> -> memref<1x64x128xf32, #tpu.memory_space<hbm>>
    %dma_wait3A_250 = tpu.memref_squeeze %dma_wait3A_249 : memref<1x64x128xf32, #tpu.memory_space<hbm>> -> memref<64x128xf32, #tpu.memory_space<hbm>>
    %dma_wait3A_251 = arith.constant 0 : i32
    %dma_wait3A_252 = arith.constant 0 : i32
    %dma_wait3A_253 = tpu.memref_slice %arg4[%dma_wait3A_246, %dma_wait3A_251, %dma_wait3A_252] : memref<50x64x16384xf32, #tpu.memory_space<hbm>> -> memref<1x64x128xf32, #tpu.memory_space<hbm>>
    %dma_wait3A_254 = tpu.memref_squeeze %dma_wait3A_253 : memref<1x64x128xf32, #tpu.memory_space<hbm>> -> memref<64x128xf32, #tpu.memory_space<hbm>>
    tpu.wait_dma2 semaphore(%arg20 : memref<!tpu.dma_semaphore, #tpu.memory_space<semaphore_mem>>) src(%arg12 : memref<64x128xf32, #tpu.memory_space<vmem>>) dst(%dma_wait3A_254 : memref<64x128xf32, #tpu.memory_space<hbm>>)
    %add3A_255 = arith.constant 384 : i32
    %add3A_256 = arith.addi %mul3A_2, %add3A_255 : i32
    %dma_start3A_257 = arith.constant 47 : i32
    %dma_start3A_258 = arith.constant 0 : i32
    %dma_start3A_259 = tpu.memref_slice %arg4[%dma_start3A_257, %dma_start3A_258, %add3A_256] : memref<50x64x16384xf32, #tpu.memory_space<hbm>> -> memref<1x64x128xf32, #tpu.memory_space<hbm>>
    %dma_start3A_260 = tpu.memref_squeeze %dma_start3A_259 : memref<1x64x128xf32, #tpu.memory_space<hbm>> -> memref<64x128xf32, #tpu.memory_space<hbm>>
    %dma_start3A_261 = arith.constant 0 : i32
    %dma_start3A_262 = tpu.memref_slice %arg4[%dma_start3A_257, %dma_start3A_261, %add3A_256] : memref<50x64x16384xf32, #tpu.memory_space<hbm>> -> memref<1x64x128xf32, #tpu.memory_space<hbm>>
    %dma_start3A_263 = tpu.memref_squeeze %dma_start3A_262 : memref<1x64x128xf32, #tpu.memory_space<hbm>> -> memref<64x128xf32, #tpu.memory_space<hbm>>
    tpu.enqueue_dma source(%arg12 : memref<64x128xf32, #tpu.memory_space<vmem>>) target(%dma_start3A_263 : memref<64x128xf32, #tpu.memory_space<hbm>>) target_semaphore(%arg20 : memref<!tpu.dma_semaphore, #tpu.memory_space<semaphore_mem>>)
    %dma_wait3A_264 = arith.constant 0 : i32
    %dma_wait3A_265 = arith.constant 0 : i32
    %dma_wait3A_266 = tpu.memref_slice %arg2[%dma_wait3A_264, %dma_wait3A_265] : memref<50x16384xi32, #tpu.memory_space<hbm>> -> memref<1x128xi32, #tpu.memory_space<hbm>>
    %dma_wait3A_267 = tpu.memref_squeeze %dma_wait3A_266 : memref<1x128xi32, #tpu.memory_space<hbm>> -> memref<128xi32, #tpu.memory_space<hbm>>
    %dma_wait3A_268 = arith.constant 0 : i32
    %dma_wait3A_269 = tpu.memref_slice %arg2[%dma_wait3A_264, %dma_wait3A_268] : memref<50x16384xi32, #tpu.memory_space<hbm>> -> memref<1x128xi32, #tpu.memory_space<hbm>>
    %dma_wait3A_270 = tpu.memref_squeeze %dma_wait3A_269 : memref<1x128xi32, #tpu.memory_space<hbm>> -> memref<128xi32, #tpu.memory_space<hbm>>
    tpu.wait_dma2 semaphore(%arg16 : memref<!tpu.dma_semaphore, #tpu.memory_space<semaphore_mem>>) src(%dma_wait3A_270 : memref<128xi32, #tpu.memory_space<hbm>>) dst(%arg8 : memref<128xi32, #tpu.memory_space<vmem>>)
    %dma_start3A_271 = arith.constant 0 : i32
    %dma_start3A_272 = arith.constant 0 : i32
    %dma_start3A_273 = tpu.memref_slice %arg3[%dma_start3A_271, %dma_start3A_272] : memref<1000000x128xf32, #tpu.memory_space<hbm>> -> memref<1000000x128xf32, #tpu.memory_space<hbm>>
    tpu.enqueue_indirect_dma source(%dma_start3A_273 : memref<1000000x128xf32, #tpu.memory_space<hbm>>) target(%arg10 : memref<128x128xf32, #tpu.memory_space<vmem>>) offsets(%arg8 : memref<128xi32, #tpu.memory_space<vmem>>) semaphore(%arg18 : memref<!tpu.dma_semaphore, #tpu.memory_space<semaphore_mem>>)
    %dma_wait3A_274 = arith.constant 0 : i32
    %dma_wait3A_275 = arith.constant 0 : i32
    %dma_wait3A_276 = tpu.memref_slice %arg3[%dma_wait3A_274, %dma_wait3A_275] : memref<1000000x128xf32, #tpu.memory_space<hbm>> -> memref<1000000x128xf32, #tpu.memory_space<hbm>>
    tpu.wait_indirect_dma semaphore(%arg17 : memref<!tpu.dma_semaphore, #tpu.memory_space<semaphore_mem>>) src(%dma_wait3A_276 : memref<1000000x128xf32, #tpu.memory_space<hbm>>) dst(%arg9 : memref<128x128xf32, #tpu.memory_space<vmem>>)
    %dma_wait3A_277 = arith.constant 0 : i32
    %dma_wait3A_278 = arith.constant 0 : i32
    %dma_wait3A_279 = arith.constant 0 : i32
    %dma_wait3A_280 = tpu.memref_slice %arg4[%dma_wait3A_277, %dma_wait3A_278, %dma_wait3A_279] : memref<50x64x16384xf32, #tpu.memory_space<hbm>> -> memref<1x64x128xf32, #tpu.memory_space<hbm>>
    %dma_wait3A_281 = tpu.memref_squeeze %dma_wait3A_280 : memref<1x64x128xf32, #tpu.memory_space<hbm>> -> memref<64x128xf32, #tpu.memory_space<hbm>>
    %dma_wait3A_282 = arith.constant 0 : i32
    %dma_wait3A_283 = arith.constant 0 : i32
    %dma_wait3A_284 = tpu.memref_slice %arg4[%dma_wait3A_277, %dma_wait3A_282, %dma_wait3A_283] : memref<50x64x16384xf32, #tpu.memory_space<hbm>> -> memref<1x64x128xf32, #tpu.memory_space<hbm>>
    %dma_wait3A_285 = tpu.memref_squeeze %dma_wait3A_284 : memref<1x64x128xf32, #tpu.memory_space<hbm>> -> memref<64x128xf32, #tpu.memory_space<hbm>>
    tpu.wait_dma2 semaphore(%arg19 : memref<!tpu.dma_semaphore, #tpu.memory_space<semaphore_mem>>) src(%arg11 : memref<64x128xf32, #tpu.memory_space<vmem>>) dst(%dma_wait3A_285 : memref<64x128xf32, #tpu.memory_space<hbm>>)
    %add3A_286 = arith.constant 384 : i32
    %add3A_287 = arith.addi %mul3A_2, %add3A_286 : i32
    %dma_start3A_288 = arith.constant 48 : i32
    %dma_start3A_289 = arith.constant 0 : i32
    %dma_start3A_290 = tpu.memref_slice %arg4[%dma_start3A_288, %dma_start3A_289, %add3A_287] : memref<50x64x16384xf32, #tpu.memory_space<hbm>> -> memref<1x64x128xf32, #tpu.memory_space<hbm>>
    %dma_start3A_291 = tpu.memref_squeeze %dma_start3A_290 : memref<1x64x128xf32, #tpu.memory_space<hbm>> -> memref<64x128xf32, #tpu.memory_space<hbm>>
    %dma_start3A_292 = arith.constant 0 : i32
    %dma_start3A_293 = tpu.memref_slice %arg4[%dma_start3A_288, %dma_start3A_292, %add3A_287] : memref<50x64x16384xf32, #tpu.memory_space<hbm>> -> memref<1x64x128xf32, #tpu.memory_space<hbm>>
    %dma_start3A_294 = tpu.memref_squeeze %dma_start3A_293 : memref<1x64x128xf32, #tpu.memory_space<hbm>> -> memref<64x128xf32, #tpu.memory_space<hbm>>
    tpu.enqueue_dma source(%arg11 : memref<64x128xf32, #tpu.memory_space<vmem>>) target(%dma_start3A_294 : memref<64x128xf32, #tpu.memory_space<hbm>>) target_semaphore(%arg19 : memref<!tpu.dma_semaphore, #tpu.memory_space<semaphore_mem>>)
    %dma_wait3A_295 = arith.constant 0 : i32
    %dma_wait3A_296 = arith.constant 0 : i32
    %dma_wait3A_297 = tpu.memref_slice %arg3[%dma_wait3A_295, %dma_wait3A_296] : memref<1000000x128xf32, #tpu.memory_space<hbm>> -> memref<1000000x128xf32, #tpu.memory_space<hbm>>
    tpu.wait_indirect_dma semaphore(%arg18 : memref<!tpu.dma_semaphore, #tpu.memory_space<semaphore_mem>>) src(%dma_wait3A_297 : memref<1000000x128xf32, #tpu.memory_space<hbm>>) dst(%arg10 : memref<128x128xf32, #tpu.memory_space<vmem>>)
    %dma_wait3A_298 = arith.constant 0 : i32
    %dma_wait3A_299 = arith.constant 0 : i32
    %dma_wait3A_300 = arith.constant 0 : i32
    %dma_wait3A_301 = tpu.memref_slice %arg4[%dma_wait3A_298, %dma_wait3A_299, %dma_wait3A_300] : memref<50x64x16384xf32, #tpu.memory_space<hbm>> -> memref<1x64x128xf32, #tpu.memory_space<hbm>>
    %dma_wait3A_302 = tpu.memref_squeeze %dma_wait3A_301 : memref<1x64x128xf32, #tpu.memory_space<hbm>> -> memref<64x128xf32, #tpu.memory_space<hbm>>
    %dma_wait3A_303 = arith.constant 0 : i32
    %dma_wait3A_304 = arith.constant 0 : i32
    %dma_wait3A_305 = tpu.memref_slice %arg4[%dma_wait3A_298, %dma_wait3A_303, %dma_wait3A_304] : memref<50x64x16384xf32, #tpu.memory_space<hbm>> -> memref<1x64x128xf32, #tpu.memory_space<hbm>>
    %dma_wait3A_306 = tpu.memref_squeeze %dma_wait3A_305 : memref<1x64x128xf32, #tpu.memory_space<hbm>> -> memref<64x128xf32, #tpu.memory_space<hbm>>
    tpu.wait_dma2 semaphore(%arg20 : memref<!tpu.dma_semaphore, #tpu.memory_space<semaphore_mem>>) src(%arg12 : memref<64x128xf32, #tpu.memory_space<vmem>>) dst(%dma_wait3A_306 : memref<64x128xf32, #tpu.memory_space<hbm>>)
    %add3A_307 = arith.constant 384 : i32
    %add3A_308 = arith.addi %mul3A_2, %add3A_307 : i32
    %dma_start3A_309 = arith.constant 49 : i32
    %dma_start3A_310 = arith.constant 0 : i32
    %dma_start3A_311 = tpu.memref_slice %arg4[%dma_start3A_309, %dma_start3A_310, %add3A_308] : memref<50x64x16384xf32, #tpu.memory_space<hbm>> -> memref<1x64x128xf32, #tpu.memory_space<hbm>>
    %dma_start3A_312 = tpu.memref_squeeze %dma_start3A_311 : memref<1x64x128xf32, #tpu.memory_space<hbm>> -> memref<64x128xf32, #tpu.memory_space<hbm>>
    %dma_start3A_313 = arith.constant 0 : i32
    %dma_start3A_314 = tpu.memref_slice %arg4[%dma_start3A_309, %dma_start3A_313, %add3A_308] : memref<50x64x16384xf32, #tpu.memory_space<hbm>> -> memref<1x64x128xf32, #tpu.memory_space<hbm>>
    %dma_start3A_315 = tpu.memref_squeeze %dma_start3A_314 : memref<1x64x128xf32, #tpu.memory_space<hbm>> -> memref<64x128xf32, #tpu.memory_space<hbm>>
    tpu.enqueue_dma source(%arg12 : memref<64x128xf32, #tpu.memory_space<vmem>>) target(%dma_start3A_315 : memref<64x128xf32, #tpu.memory_space<hbm>>) target_semaphore(%arg20 : memref<!tpu.dma_semaphore, #tpu.memory_space<semaphore_mem>>)
    %dma_wait3A_316 = arith.constant 0 : i32
    %dma_wait3A_317 = arith.constant 0 : i32
    %dma_wait3A_318 = arith.constant 0 : i32
    %dma_wait3A_319 = tpu.memref_slice %arg4[%dma_wait3A_316, %dma_wait3A_317, %dma_wait3A_318] : memref<50x64x16384xf32, #tpu.memory_space<hbm>> -> memref<1x64x128xf32, #tpu.memory_space<hbm>>
    %dma_wait3A_320 = tpu.memref_squeeze %dma_wait3A_319 : memref<1x64x128xf32, #tpu.memory_space<hbm>> -> memref<64x128xf32, #tpu.memory_space<hbm>>
    %dma_wait3A_321 = arith.constant 0 : i32
    %dma_wait3A_322 = arith.constant 0 : i32
    %dma_wait3A_323 = tpu.memref_slice %arg4[%dma_wait3A_316, %dma_wait3A_321, %dma_wait3A_322] : memref<50x64x16384xf32, #tpu.memory_space<hbm>> -> memref<1x64x128xf32, #tpu.memory_space<hbm>>
    %dma_wait3A_324 = tpu.memref_squeeze %dma_wait3A_323 : memref<1x64x128xf32, #tpu.memory_space<hbm>> -> memref<64x128xf32, #tpu.memory_space<hbm>>
    tpu.wait_dma2 semaphore(%arg19 : memref<!tpu.dma_semaphore, #tpu.memory_space<semaphore_mem>>) src(%arg11 : memref<64x128xf32, #tpu.memory_space<vmem>>) dst(%dma_wait3A_324 : memref<64x128xf32, #tpu.memory_space<hbm>>)
    %dma_wait3A_325 = arith.constant 0 : i32
    %dma_wait3A_326 = arith.constant 0 : i32
    %dma_wait3A_327 = arith.constant 0 : i32
    %dma_wait3A_328 = tpu.memref_slice %arg4[%dma_wait3A_325, %dma_wait3A_326, %dma_wait3A_327] : memref<50x64x16384xf32, #tpu.memory_space<hbm>> -> memref<1x64x128xf32, #tpu.memory_space<hbm>>
    %dma_wait3A_329 = tpu.memref_squeeze %dma_wait3A_328 : memref<1x64x128xf32, #tpu.memory_space<hbm>> -> memref<64x128xf32, #tpu.memory_space<hbm>>
    %dma_wait3A_330 = arith.constant 0 : i32
    %dma_wait3A_331 = arith.constant 0 : i32
    %dma_wait3A_332 = tpu.memref_slice %arg4[%dma_wait3A_325, %dma_wait3A_330, %dma_wait3A_331] : memref<50x64x16384xf32, #tpu.memory_space<hbm>> -> memref<1x64x128xf32, #tpu.memory_space<hbm>>
    %dma_wait3A_333 = tpu.memref_squeeze %dma_wait3A_332 : memref<1x64x128xf32, #tpu.memory_space<hbm>> -> memref<64x128xf32, #tpu.memory_space<hbm>>
    tpu.wait_dma2 semaphore(%arg20 : memref<!tpu.dma_semaphore, #tpu.memory_space<semaphore_mem>>) src(%arg12 : memref<64x128xf32, #tpu.memory_space<vmem>>) dst(%dma_wait3A_333 : memref<64x128xf32, #tpu.memory_space<hbm>>)
    return
  }
}

</mosaic_0001>

<sc_bundles>
// kernel: kernel.4.cloned.1.call-start
scs
__scs_entry_jumppad:
0x0: {  	(pc) =	sbr.rel $0x88, $3  }
0x1: {  	(tag) =	ssettag $0x0;
	lr =	simm.s32 $0x1  }
0x2: {  	[smem:$0x3F9F] =	sst lr;
	_ =	strace $0xD0000000  }
0x3: {  	_ = 	snop  }
0x4: {  	_ = 	snop  }
0x5: {  	_ = 	snop  }
0x6: {  	_ = 	snop  }
0x7: {  	_ = 	snop  }
__scs_overlays_trampoline_lowered:
0x8: {  	[smem:$0x3FAE] =	sst s0  }
0x9: {  	[smem:$0x3FAF] =	sst s1  }
0xa: {  	[smem:$0x3FB0] =	sst s2  }
0xb: {  	[smem:$0x3FB1] =	sst s3  }
0xc: {  	[smem:$0x3FB2] =	sst s4  }
0xd: {  	[smem:$0x3FB3] =	sst s5  }
0xe: {  	[smem:$0x3FB4] =	sst s6  }
0xf: {  	[smem:$0x3FB5] =	sst s7  }
0x10: {  	[smem:$0x3FB6] =	sst s8  }
0x11: {  	[smem:$0x3FB7] =	sst s9;
	s0 =	simm.s32 @!p0 $0x0  }
0x12: {  	s1 =	sld [smem:$0x3F9D];
	s0 =	simm.s32 @p0 $0x1  }
0x13: {  	[smem:$0x3FB8] =	sst s0;
	s0 =	simm.s32 @!p1 $0x0  }
0x14: {  	s2 =	sld [smem:$0x3F9C];
	s0 =	simm.s32 @p1 $0x1  }
0x15: {  	[smem:$0x3FB9] =	sst s0;
	s0 =	simm.s32 @!p2 $0x0  }
0x16: {  	s3 =	sld [smem:$0x3FDB];
	s0 =	simm.s32 @p2 $0x1  }
0x17: {  	s4 =	simm.s32 $0x1BF5;
	[smem:$0x3FBB] =	sst s0  }
0x18: {  	s0 =	sld [smem:$0x3F9E];
	_ =	swait.ge [sflag:s4], $0x0  }
0x19: {  	s7 =	sld [smem:$0x3F9F]  }
0x1a: {  	s8 =	sadd.s32 $0xFFFFE003, lr  }
0x1b: {  	s9 =	sadd.s32 $0xFFFFFEF7, lr;
	s5 =	simm.s32 $0xFFFFFFFF;
	p2 =	slt.u32 s8, $0xFFFFF086  }
0x1c: {  	p1 =	slt.u32 s9, $0xF7A;
	s5 =	simm.s32 @!p2 $0x0  }
0x1d: {  	s5 =	simm.s32 @p1 $0x1;
	p0 =	seq.s32 s7, s2  }
0x1e: {  	s7 =	smul.u32 @!p0 $0xF7A, s2;
	p2 =	seq.s32 @!p0 s5, $0x0  }
0x1f: {  	s9 =	smul.u32 $0xF7A, s1;
	s8 =	simm.s32 @!p0 $0x1BF5;
	p2 =	por !p2, p0  }
0x20: {  	[sflag:s8] =	ssyncset.s32 @!p0 $0xFFFFF086;
	s6 =	sadd.s32 @!p0 s3, s7;
	s7 =	simm.s32 @!p0 $0x108  }
0x21: {  	s3 =	sadd.s32 s3, s9;
	s6 =	sadd.s32 @!p0 $0x88, s6;
	s7 =	simm.s32 @p2 $0x1082  }
0x22: {  	[simem:s7], [sflag:s8] =	dma.local @!p0 [hbm:s6], $0xF7A  }
0x23: {  	s9 =	sor.u32 $0xD0000000, s2;
	s6 =	simm.s32 $0x108;
	_ =	swait.ge @!p0 [sflag:s8], $0x0  }
0x24: {  	s3 =	sadd.s32 $0x88, s3;
	s6 =	simm.s32 @!p1 $0x1082;
	[sflag:s4] =	ssyncset.s32 $0xFFFFF086  }
0x25: {  	[simem:s6], [sflag:s4] =	dma.local [hbm:s3], $0xF7A  }
0x26: {  	[smem:$0x3F9F] =	sst s1;
	(tag) =	ssettag s2;
	_ =	strace s9  }
0x27: {  	s1 =	sld [smem:$0x3FAF]  }
0x28: {  	s2 =	sld [smem:$0x3FB0]  }
0x29: {  	s4 =	sld [smem:$0x3FB2]  }
0x2a: {  	p0 =	seq.s32 s5, $0x0;
	s5 =	sld [smem:$0x3FB3]  }
0x2b: {  	s6 =	sld [smem:$0x3FB4]  }
0x2c: {  	s7 =	sld [smem:$0x3FB5]  }
0x2d: {  	s3 =	simm.s32 $0x108;
	s8 =	sld [smem:$0x3FB6]  }
0x2e: {  	s3 =	simm.s32 @!p0 $0x1082;
	s9 =	sld [smem:$0x3FB7]  }
0x2f: {  	lr =	sadd.s32 s0, s3;
	s0 =	sld [smem:$0x3FAE]  }
0x30: {  	s3 =	sld [smem:$0x3FB1]  }
0x31: {  	[smem:$0x3FBA] =	sst s10  }
0x32: {  	s10 =	sld [smem:$0x3FB8];
	_ =	sdelay $0x3  }
0x33: {  	p0 =	seq.s32 s10, $0x1;
	s10 =	sld [smem:$0x3FBA];
	_ =	sdelay $0x3  }
0x34: {  	[smem:$0x3FBA] =	sst s10  }
0x35: {  	s10 =	sld [smem:$0x3FB9];
	_ =	sdelay $0x3  }
0x36: {  	p1 =	seq.s32 s10, $0x1;
	s10 =	sld [smem:$0x3FBA];
	_ =	sdelay $0x3  }
0x37: {  	[smem:$0x3FBA] =	sst s10  }
0x38: {  	s10 =	sld [smem:$0x3FBB]  }
0x39: {  	_ = 	snop;
	(pc) =	sbr.ind lr, $3  }
0x3a: {  	_ = 	snop  }
0x3b: {  	_ = 	snop  }
0x3c: {  	p2 =	seq.s32 s10, $0x1;
	s10 =	sld [smem:$0x3FBA]  }
0x3d: {  	_ =	shalt  }
0x3e: {  	_ =	shalt  }
0x3f: {  	_ =	shalt  }
0x40: {  	_ =	shalt  }
0x41: {  	_ =	shalt  }
0x42: {  	_ =	shalt  }
0x43: {  	_ =	shalt  }
0x44: {  	_ =	shalt  }
0x45: {  	_ =	shalt  }
0x46: {  	_ =	shalt  }
0x47: {  	_ =	shalt  }
0x48: {  	_ =	shalt  }
0x49: {  	_ =	shalt  }
0x4a: {  	_ =	shalt  }
0x4b: {  	_ =	shalt  }
0x4c: {  	_ =	shalt  }
0x4d: {  	_ =	shalt  }
0x4e: {  	_ =	shalt  }
0x4f: {  	_ =	shalt  }
0x50: {  	_ =	shalt  }
0x51: {  	_ =	shalt  }
0x52: {  	_ =	shalt  }
0x53: {  	_ =	shalt  }
0x54: {  	_ =	shalt  }
0x55: {  	_ =	shalt  }
0x56: {  	_ =	shalt  }
0x57: {  	_ =	shalt  }
0x58: {  	_ =	shalt  }
0x59: {  	_ =	shalt  }
0x5a: {  	_ =	shalt  }
0x5b: {  	_ =	shalt  }
0x5c: {  	_ =	shalt  }
0x5d: {  	_ =	shalt  }
0x5e: {  	_ =	shalt  }
0x5f: {  	_ =	shalt  }
0x60: {  	_ =	shalt  }
0x61: {  	_ =	shalt  }
0x62: {  	_ =	shalt  }
0x63: {  	_ =	shalt  }
0x64: {  	_ =	shalt  }
0x65: {  	_ =	shalt  }
0x66: {  	_ =	shalt  }
0x67: {  	_ =	shalt  }
0x68: {  	_ =	shalt  }
0x69: {  	_ =	shalt  }
0x6a: {  	_ =	shalt  }
0x6b: {  	_ =	shalt  }
0x6c: {  	_ =	shalt  }
0x6d: {  	_ =	shalt  }
0x6e: {  	_ =	shalt  }
0x6f: {  	_ =	shalt  }
0x70: {  	_ =	shalt  }
0x71: {  	_ =	shalt  }
0x72: {  	_ =	shalt  }
0x73: {  	_ =	shalt  }
0x74: {  	_ =	shalt  }
0x75: {  	_ =	shalt  }
0x76: {  	_ =	shalt  }
0x77: {  	_ =	shalt  }
0x78: {  	_ =	shalt  }
0x79: {  	_ =	shalt  }
0x7a: {  	_ =	shalt  }
0x7b: {  	_ =	shalt  }
0x7c: {  	_ =	shalt  }
0x7d: {  	_ =	shalt  }
0x7e: {  	_ =	shalt  }
0x7f: {  	_ =	shalt  }
0x80: {  	_ =	shalt  }
0x81: {  	_ =	shalt  }
0x82: {  	_ =	shalt  }
0x83: {  	_ =	shalt  }
0x84: {  	_ =	shalt  }
0x85: {  	_ =	shalt  }
0x86: {  	_ =	shalt  }
0x87: {  	_ =	shalt  }
.Lfunc_end0:
.L_simem_size_0:
called_computation_lowered:
.L_overlay_start_0:
0x88: {  	s2 =	sld [smem:$0x3FD9]  }
0x89: {  	s3 =	sld [smem:$0x3FFE];
	_ =	sdelay $0x1  }
0x8a: {  	s1 =	srdreg.scid  }
0x8b: {  	s0 =	sand.u32 $0x1, s1  }
0x8c: {  	s17 =	sshll.u32 s0, $0xA;
	s2 =	sadd.s32 s3, s2  }
0x8d: {  	s2 =	sadd.s32 s2, s17  }
0x8e: {  	[smem:$0x3FC6] =	sst s2  }
0x8f: {  	_ = 	snop  }
0x90: {  	s2 =	sld [smem:$0x3FC8]  }
0x91: {  	s18 =	sld [smem:$0x3FD0];
	(tm) =	ssettm $0x1  }
0x92: {  	s4 =	sld [smem:$0x3FFB];
	_ =	sdelay $0x3  }
0x93: {  	_ =	strace s4  }
0x94: {  	s4 =	sld [smem:$0x3FFC];
	_ =	sdelay $0x3  }
0x95: {  	_ =	strace s4  }
0x96: {  	s4 =	sld [smem:$0x3FFD];
	_ =	sdelay $0x3  }
0x97: {  	_ =	strace s4  }
0x98: {  	_ =	strace $0x8FFFFFFF  }
0x99: {  	s19 =	sld [smem:$0x3FDB];
	_ =	sdelay $0x1  }
0x9a: {  	s5 =	simm.s32 $_scs_section_size  }
0x9b: {  	s6 =	simm.s32 $_size__tile_overlayer_lowered;
	s7 =	simm.s32 $_tile_overlayer_lowered  }
0x9c: {  	s22 =	simm.s32 $0x1BFF;
	s21 =	sshll.u32 s7, $0x1;
	s4 =	sadd.s32 s5, s19  }
0x9d: {  	s8 =	simm.s32 $0x0;
	s20 =	sshll.u32 s6, $0x1;
	s6 =	sadd.s32 s21, s4  }
0x9e: {  	[timem:s8], [sflag:s22] =	dma.local [hbm:s6], s20  }
0x9f: {  	_ =	swait.ge [sflag:s22], s20  }
0xa0: {  	s5 =	ssub.s32 $0x0, s20;
	[sflag:s22] =	ssyncset.done $0x0  }
0xa1: {  	[sflag:s22] =	ssyncadd.s32 s5;
	_ =	sdelay $0x1  }
0xa2: {  	s23 =	simm.s32 $0x1B8B  }
0xa3: {  	_ =	swait.ge [sflag:s23], $0x1  }
0xa4: {  	[sflag:s23] =	ssyncset.done $0x0  }
0xa5: {  	s25 =	simm.s32 $0x1B8E;
	s24 =	sld [smem:$0x3FFE];
	[sflag:s23] =	ssyncadd.s32 $0xFFFFFFFF  }
0xa6: {  	s26 =	simm.s32 $execute0_lowered;
	[smem:$0x3FD2] =	sst s25  }
0xa7: {  	s6 =	sshll.u32 s26, $0x1;
	_ =	strace $0x80000046;
	[dreg:$0x1] =	wrdreg $0xFFFFFFFF  }
0xa8: {  	s28 =	simm.s32 $_size_execute0_lowered;
	s4 =	sadd.s32 s4, s6;
	[dreg:$0x0] =	wrdreg $0x0  }
0xa9: {  	s6 =	sshll.u32 s28, $0x1;
	[dreg:$0x2] =	wrdreg s4  }
0xaa: {  	[dreg:$0x3] =	wrdreg s6  }
0xab: {  	[dreg:$0x4] =	wrdreg $0xC0  }
0xac: {  	_ =	task [dreg:s8], $0x5FFFF  }
0xad: {  	[dreg:$0x1] =	wrdreg $0xFFFFFFFF  }
0xae: {  	[dreg:$0x0] =	wrdreg $0x60  }
0xaf: {  	[dreg:$0x2] =	wrdreg s2  }
0xb0: {  	[dreg:$0x3] =	wrdreg s18  }
0xb1: {  	[dreg:$0x4] =	wrdreg s24  }
0xb2: {  	[dreg:$0x5] =	wrdreg $0x9  }
0xb3: {  	_ =	task.clear_ibuf [dreg:s8], $0x6FFFF;
	_ =	strace $0x90000046  }
0xb4: {  	s29 =	simm.s32 $0x9;
	_ =	strace $0x80000048  }
0xb5: {  	_ =	swait.ge [sflag:s29], $0x1  }
0xb6: {  	[sflag:s29] =	ssyncadd.s32 $0xFFFFFFFF  }
0xb7: {  	_ =	strace $0x90000048  }
0xb8: {  	_ =	sfence  }
0xb9: {  	s30 =	sld [smem:$0x0];
	_ =	sdelay $0x2  }
0xba: {  	s31 =	sshll.u32 s1, $0xD;
	s1 =	sshrl.u32 s1, $0x2  }
0xbb: {  	s3 =	sand.u32 $0x4000, s31;
	s1 =	sadd.s32 s1, s30  }
0xbc: {  	s0 =	sor.u32 s3, s0;
	s1 =	sshll.u32 s1, $0x11  }
0xbd: {  	s0 =	sor.u32 s1, s0  }
0xbe: {  	s0 =	sadd.s32 $0x8F2B, s0  }
0xbf: {  	[sflag:s0] =	ssyncadd.remote.s32 $0x1  }
0xc0: {  	_ =	sfence.sel $0xFFFF  }
0xc1: {  	[dreg:$0x0] =	wrdreg $0xFFFFFFFF;
	(pc) =	sbr.abs _section_cstart, $3  }
0xc2: {  	[dreg:$0x1] =	wrdreg $0xFFFFFFFF  }
0xc3: {  	_ =	task.clear_ibuf [dreg:s8], $0x2FFFF;
	_ =	strace $0x9FFFFFFF  }
0xc4: {  	(tm) =	ssettm $0x7FFFFFFF  }
0xc5: {  	_ =	shalt  }
tec
execute0_lowered:
.L_overlay_start_1:
0x0: {  	(tag) =	ssettag $0x1  }
0x1: {  	s8 =	rddreg [dreg:$0x0]  }
0x2: {  	s10 =	rddreg [dreg:$0x1]  }
0x3: {  	s0 =	rddreg [dreg:$0x2]  }
0x4: {  	s1 =	srdreg.scid;
	s11 =	stileid.u32  }
0x5: {  	s4 =	simm.s32 $0x0;
	s28 =	simm.s32 $0x800;
	s29 =	simm.s32 $0x7A1400  }
0x6: {  	s30 =	simm.s32 $0x4000;
	s31 =	simm.s32 $0x1;
	s1 =	sand.u32 $0x1, s1  }
0x7: {  	s2 =	sshll.u32 s11, $0x1;
	[smem:$0x7FF] =	sst s4;
	s5 =	sadd.s32 $0x800, s0  }
0x8: {  	p0 =	seq.s32 s11, $0x0;
	s22 =	sadd.s32 $0x80, s10;
	s23 =	sshll.u32 s11, $0x9  }
0x9: {  	s24 =	sshll.u32 s11, $0xD;
	s3 =	ssub.s32 $0x2, s1;
	s2 =	sor.u32 s1, s2  }
0xa: {  	_ =	strace $0x80000047;
	[dreg:$0xf] =	wrdreg s22;
	s25 =	sshll.u32 s1, $0x8  }
0xb: {  	s1 =	sshll.u32 s1, $0xC;
	s22 =	sadd.s32 $0x200, s10;
	s6 =	sshrl.u32 s3, $0x1  }
0xc: {  	s7 =	sshll.u32 s2, $0x8;
	s15 =	sshll.u32 s2, $0xC;
	s16 =	sor.u32 $0xF40, s2  }
0xd: {  	s3 =	ssub.s32 s3, s6;
	s9 =	sor.u32 $0x2000, s7;
	s26 =	sadd.s32 s8, s7  }
0xe: {  	s12 =	sadd.s32 s5, s15;
	s7 =	sor.u32 $0xF40000, s15;
	s14 =	sadd.s32 s8, s9  }
0xf: {  	s13 =	sadd.s32 $0x4000, s26;
	s9 =	sshll.u32 s9, $0x4;
	[dreg:$0x4] =	wrdreg s26  }
0x10: {  	s6 =	sadd.s32 $0x6000, s26;
	s7 =	simm.s32 @!p0 $0x0;
	[dreg:$0x6] =	wrdreg s12  }
0x11: {  	p0 =	slt.u32 s16, $0xF42;
	s18 =	smax.u32 s3, $0x1;
	[dreg:$0x5] =	wrdreg s14  }
0x12: {  	s19 =	sadd.s32 $0xF00000, s12;
	s21 =	sadd.s32 $0xF20000, s12;
	[dreg:$0x7] =	wrdreg s13  }
0x13: {  	s3 =	sadd.s32 s24, s5;
	s24 =	sadd.s32 $0x300, s10;
	[dreg:$0x9] =	wrdreg s6  }
0x14: {  	s9 =	sadd.s32 s5, s9;
	s17 =	sadd.s32 s5, s7;
	[dreg:$0xb] =	wrdreg s18  }
0x15: {  	s7 =	sshll.u32 s16, $0x8;
	s13 =	sadd.s32 $0xF42800, s0;
	[dreg:$0xc] =	wrdreg s19  }
0x16: {  	[dreg:$0xe] =	wrdreg s21;
	s19 =	sadd.s32 $0x100, s10;
	s0 =	sadd.s32 s23, s8  }
0x17: {  	s26 =	sadd.s32 s1, s3;
	s23 =	sadd.s32 $0x280, s10;
	[dreg:$0x8] =	wrdreg s9  }
0x18: {  	s3 =	simm.s32 $0x2;
	s1 =	simm.s32 $0x10000;
	[dreg:$0xa] =	wrdreg s17  }
0x19: {  	s7 =	simm.s32 @!p0 $0x0;
	s21 =	sadd.s32 s25, s0;
	p0 =	sne.s32 s2, $0x0  }
0x1a: {  	s25 =	sadd.s32 $0x60000, s26;
	s26 =	sadd.s32 $0x380, s10;
	s0 =	simm.s32 $0x8000  }
0x1b: {  	s2 =	simm.s32 $0x3;
	s9 =	simm.s32 $0x0;
	s20 =	sadd.s32 s8, s7  }
0x1c: {  	s7 =	simm.s32 $0x4;
	[dreg:$0xd] =	wrdreg s20;
	s20 =	sadd.s32 $0x180, s10  }
.LBB2_1:
0x1d: {  	s6 =	rddreg [dreg:$0x4]  }
0x1e: {  	[tilespmem:s4], [sflag:$0x1] =	stream.strided.gather [hbm4b:s6+s28], $0x4000, s29, s28, $0x38;
	[tilespmem:$0x18000] =	vst v63  }
0x1f: {  	s12 =	rddreg [dreg:$0x5]  }
0x20: {  	[tilespmem:s30], [sflag:$0x2] =	stream.strided.gather [hbm4b:s12+s28], $0x4000, s29, s28, $0x38;
	[tilespmem:$0x18000] =	vst v63  }
0x21: {  	_ =	swait.ge [sflag:s31], $0x4000  }
0x22: {  	[sflag:s31] =	ssyncset.done $0x0  }
0x23: {  	s14 =	rddreg [dreg:$0x6];
	[sflag:s31] =	ssyncadd.s32 $0xFFFFC000  }
0x24: {  	[hbm4b:s14+s4] =	stream.linear.scatter [tilespmem:s0], [sflag:$0x3], $0x8000, $0x38;
	[tilespmem:$0x18000] =	vst v63  }
0x25: {  	s15 =	rddreg [dreg:$0x7]  }
0x26: {  	[tilespmem:s4], [sflag:$0x1] =	stream.strided.gather [hbm4b:s15+s28], $0x4000, s29, s28, $0x38;
	[tilespmem:$0x18000] =	vst v63  }
0x27: {  	_ =	swait.ge [sflag:s3], $0x4000  }
0x28: {  	[sflag:s3] =	ssyncset.done $0x0  }
0x29: {  	s16 =	rddreg [dreg:$0x8];
	[sflag:s3] =	ssyncadd.s32 $0xFFFFC000  }
0x2a: {  	[hbm4b:s16+s4] =	stream.linear.scatter [tilespmem:s1], [sflag:$0x4], $0x8000, $0x38;
	[tilespmem:$0x18000] =	vst v63  }
0x2b: {  	s17 =	rddreg [dreg:$0x9]  }
0x2c: {  	[tilespmem:s30], [sflag:$0x2] =	stream.strided.gather [hbm4b:s17+s28], $0x4000, s29, s28, $0x38;
	[tilespmem:$0x18000] =	vst v63  }
0x2d: {  	_ =	swait.ge [sflag:s31], $0x4000  }
0x2e: {  	[sflag:s31] =	ssyncset.done $0x0  }
0x2f: {  	[sflag:s31] =	ssyncadd.s32 $0xFFFFC000  }
0x30: {  	_ =	swait.ge [sflag:s2], $0x8000  }
0x31: {  	[sflag:s2] =	ssyncset.done $0x0  }
0x32: {  	s10 =	sadd.s32 $0xFFFE0000, s25;
	s11 =	sadd.s32 $0x0, s21;
	[sflag:s2] =	ssyncadd.s32 $0xFFFF8000  }
0x33: {  	[hbm4b:s10+s4] =	stream.linear.scatter [tilespmem:s0], [sflag:$0x3], $0x8000, $0x38;
	[tilespmem:$0x18000] =	vst v63  }
0x34: {  	s18 =	sadd.s32 $0x8000, s11  }
0x35: {  	[tilespmem:s4], [sflag:$0x1] =	stream.strided.gather [hbm4b:s18+s28], $0x4000, s29, s28, $0x38;
	[tilespmem:$0x18000] =	vst v63  }
0x36: {  	_ =	swait.ge [sflag:s3], $0x4000  }
0x37: {  	[sflag:s3] =	ssyncset.done $0x0  }
0x38: {  	[sflag:s3] =	ssyncadd.s32 $0xFFFFC000  }
0x39: {  	_ =	swait.ge [sflag:s7], $0x8000  }
0x3a: {  	s12 =	sadd.s32 $0xA000, s11;
	[sflag:s7] =	ssyncset.done $0x0  }
0x3b: {  	s11 =	sadd.s32 $0x40000, s25;
	s10 =	simm.s32 $0x4000;
	[sflag:s7] =	ssyncadd.s32 $0xFFFF8000  }
0x3c: {  	[hbm4b:s25+s4] =	stream.linear.scatter [tilespmem:s1], [sflag:$0x4], $0x8000, $0x38;
	[tilespmem:$0x18000] =	vst v63  }
.LBB2_2:
0x3d: {  	[tilespmem:s30], [sflag:$0x2] =	stream.strided.gather [hbm4b:s12+s28], $0x4000, s29, s28, $0x38;
	[tilespmem:$0x18000] =	vst v63  }
0x3e: {  	s12 =	smov.u32 s10  }
0x3f: {  	p1 =	sne.s32 s10, $0xE8000;
	s10 =	sadd.s32 $0x4000, s10;
	_ =	swait.ge [sflag:s31], $0x4000  }
0x40: {  	[sflag:s31] =	ssyncset.done $0x0  }
0x41: {  	[sflag:s31] =	ssyncadd.s32 $0xFFFFC000  }
0x42: {  	_ =	swait.ge [sflag:s2], $0x8000  }
0x43: {  	[sflag:s2] =	ssyncset.done $0x0  }
0x44: {  	s6 =	sadd.s32 $0xFFFE0000, s11;
	s12 =	sadd.s32 s12, s21;
	[sflag:s2] =	ssyncadd.s32 $0xFFFF8000  }
0x45: {  	[hbm4b:s6+s4] =	stream.linear.scatter [tilespmem:s0], [sflag:$0x3], $0x8000, $0x38;
	[tilespmem:$0x18000] =	vst v63  }
0x46: {  	s6 =	sadd.s32 $0x8000, s12  }
0x47: {  	[tilespmem:s4], [sflag:$0x1] =	stream.strided.gather [hbm4b:s6+s28], $0x4000, s29, s28, $0x38;
	[tilespmem:$0x18000] =	vst v63  }
0x48: {  	_ =	swait.ge [sflag:s3], $0x4000  }
0x49: {  	[sflag:s3] =	ssyncset.done $0x0  }
0x4a: {  	[sflag:s3] =	ssyncadd.s32 $0xFFFFC000  }
.Ltmp0:
0x4b: {  	_ =	swait.ge [sflag:s7], $0x8000;
	(pc) =	sbr.rel @p1 .LBB2_2-.Ltmp0, $4  }
0x4c: {  	[sflag:s7] =	ssyncset.done $0x0  }
0x4d: {  	[sflag:s7] =	ssyncadd.s32 $0xFFFF8000  }
0x4e: {  	[hbm4b:s11+s4] =	stream.linear.scatter [tilespmem:s1], [sflag:$0x4], $0x8000, $0x38;
	[tilespmem:$0x18000] =	vst v63  }
0x4f: {  	s12 =	sadd.s32 $0xA000, s12;
	s11 =	sadd.s32 $0x40000, s11  }
0x50: {  	[tilespmem:s30], [sflag:$0x2] =	stream.strided.gather [hbm4b:s12+s28], $0x4000, s29, s28, $0x38;
	[tilespmem:$0x18000] =	vst v63  }
0x51: {  	_ =	swait.ge [sflag:s31], $0x4000  }
0x52: {  	[sflag:s31] =	ssyncset.done $0x0  }
0x53: {  	[sflag:s31] =	ssyncadd.s32 $0xFFFFC000  }
0x54: {  	_ =	swait.ge [sflag:s2], $0x8000  }
0x55: {  	[sflag:s2] =	ssyncset.done $0x0  }
0x56: {  	s6 =	rddreg [dreg:$0xc];
	[sflag:s2] =	ssyncadd.s32 $0xFFFF8000  }
0x57: {  	[hbm4b:s6+s4] =	stream.linear.scatter [tilespmem:s0], [sflag:$0x3], $0x8000, $0x38;
	[tilespmem:$0x18000] =	vst v63  }
0x58: {  	s14 =	rddreg [dreg:$0xd]  }
0x59: {  	[tilespmem:s4], [sflag:$0x1] =	stream.strided.gather [hbm4b:s14+s28], $0x4000, s29, s28, $0x38;
	[tilespmem:$0x18000] =	vst v63  }
0x5a: {  	_ =	swait.ge [sflag:s3], $0x4000  }
0x5b: {  	[sflag:s3] =	ssyncset.done $0x0  }
0x5c: {  	[sflag:s3] =	ssyncadd.s32 $0xFFFFC000  }
0x5d: {  	_ =	swait.ge [sflag:s7], $0x8000  }
0x5e: {  	[sflag:s7] =	ssyncset.done $0x0  }
0x5f: {  	s15 =	rddreg [dreg:$0xe];
	[sflag:s7] =	ssyncadd.s32 $0xFFFF8000  }
0x60: {  	[hbm4b:s15+s4] =	stream.linear.scatter [tilespmem:s1], [sflag:$0x4], $0x8000, $0x38;
	[tilespmem:$0x18000] =	vst v63  }
0x61: {  	s16 =	rddreg [dreg:$0x0]  }
0x62: {  	[tilespmem:s30], [sflag:$0x2] =	stream.strided.gather [hbm4b:s16+s28], $0x4000, s29, s28, $0x38;
	[tilespmem:$0x18000] =	vst v63  }
0x63: {  	_ =	swait.ge [sflag:s31], $0x4000  }
0x64: {  	[sflag:s31] =	ssyncset.done $0x0  }
0x65: {  	[sflag:s31] =	ssyncadd.s32 $0xFFFFC000  }
0x66: {  	_ =	swait.ge [sflag:s2], $0x8000  }
0x67: {  	[sflag:s2] =	ssyncset.done $0x0  }
0x68: {  	s17 =	rddreg [dreg:$0xa];
	[sflag:s2] =	ssyncadd.s32 $0xFFFF8000  }
0x69: {  	[hbm4b:s17+s4] =	stream.linear.scatter [tilespmem:s0], [sflag:$0x3], $0x8000, $0x38;
	[tilespmem:$0x18000] =	vst v63  }
0x6a: {  	_ =	swait.ge [sflag:s3], $0x4000  }
0x6b: {  	[sflag:s3] =	ssyncset.done $0x0  }
0x6c: {  	[sflag:s3] =	ssyncadd.s32 $0xFFFFC000  }
0x6d: {  	_ =	swait.ge [sflag:s7], $0x8000  }
0x6e: {  	[sflag:s7] =	ssyncset.done $0x0  }
0x6f: {  	[sflag:s7] =	ssyncadd.s32 $0xFFFF8000  }
0x70: {  	[hbm4b:s5+s4] =	stream.linear.scatter [tilespmem:s1], [sflag:$0x4], $0x8000, $0x38;
	[tilespmem:$0x18000] =	vst v63  }
0x71: {  	_ =	swait.ge [sflag:s2], $0x8000  }
0x72: {  	[sflag:s2] =	ssyncset.done $0x0  }
0x73: {  	[sflag:s2] =	ssyncadd.s32 $0xFFFF8000  }
0x74: {  	_ =	swait.ge [sflag:s7], $0x8000  }
0x75: {  	[sflag:s7] =	ssyncset.done $0x0  }
0x76: {  	[sflag:s7] =	ssyncadd.s32 $0xFFFF8000  }
0x77: {  	s6 =	simm.s32 @!p0 $0x0;
	s8 =	rddreg [dreg:$0x1]  }
0x78: {  	[tilespmem:s6], [sflag:$0x5] =	stream.linear.gather @!p0 [hbm4b:s8+s6], $0x400, $0x38;
	[tilespmem:$0x18000] =	vst v63  }
0x79: {  	s10 =	simm.s32 @!p0 $0x800;
	s8 =	rddreg [dreg:$0xf]  }
0x7a: {  	[tilespmem:s10], [sflag:$0x5] =	stream.linear.gather @!p0 [hbm4b:s8+s6], $0x400, $0x38;
	[tilespmem:$0x18000] =	vst v63  }
0x7b: {  	s11 =	simm.s32 @!p0 $0x1000  }
0x7c: {  	[tilespmem:s11], [sflag:$0x5] =	stream.linear.gather @!p0 [hbm4b:s19+s6], $0x400, $0x38;
	[tilespmem:$0x18000] =	vst v63  }
0x7d: {  	s12 =	simm.s32 @!p0 $0x1800  }
0x7e: {  	[tilespmem:s12], [sflag:$0x5] =	stream.linear.gather @!p0 [hbm4b:s20+s6], $0x400, $0x38;
	[tilespmem:$0x18000] =	vst v63  }
0x7f: {  	s14 =	simm.s32 @!p0 $0x2000  }
0x80: {  	[tilespmem:s14], [sflag:$0x5] =	stream.linear.gather @!p0 [hbm4b:s22+s6], $0x400, $0x38;
	[tilespmem:$0x18000] =	vst v63  }
0x81: {  	s8 =	simm.s32 @!p0 $0x2800  }
0x82: {  	[tilespmem:s8], [sflag:$0x5] =	stream.linear.gather @!p0 [hbm4b:s23+s6], $0x400, $0x38;
	[tilespmem:$0x18000] =	vst v63  }
0x83: {  	s15 =	simm.s32 @!p0 $0x3000  }
0x84: {  	[tilespmem:s15], [sflag:$0x5] =	stream.linear.gather @!p0 [hbm4b:s24+s6], $0x400, $0x38;
	[tilespmem:$0x18000] =	vst v63  }
0x85: {  	s16 =	simm.s32 @!p0 $0x3800;
	s17 =	simm.s32 @!p0 $0x5  }
0x86: {  	[tilespmem:s16], [sflag:$0x5] =	stream.linear.gather @!p0 [hbm4b:s26+s6], $0x400, $0x38;
	[tilespmem:$0x18000] =	vst v63  }
0x87: {  	_ =	swait.ge @!p0 [sflag:s17], $0x2000  }
0x88: {  	[sflag:s17] =	ssyncset.done @!p0 $0x0  }
0x89: {  	[sflag:s17] =	ssyncadd.s32 @!p0 $0xFFFFE000  }
0x8a: {  	[hbm4b:s13+s6] =	stream.linear.scatter @!p0 [tilespmem:s6], [sflag:$0x5], $0x400, $0x38;
	[tilespmem:$0x18000] =	vst v63  }
0x8b: {  	s18 =	sadd.s32 @!p0 $0x80, s13  }
0x8c: {  	[hbm4b:s18+s6] =	stream.linear.scatter @!p0 [tilespmem:s10], [sflag:$0x5], $0x400, $0x38;
	[tilespmem:$0x18000] =	vst v63  }
0x8d: {  	s10 =	sadd.s32 @!p0 $0x100, s13  }
0x8e: {  	[hbm4b:s10+s6] =	stream.linear.scatter @!p0 [tilespmem:s11], [sflag:$0x5], $0x400, $0x38;
	[tilespmem:$0x18000] =	vst v63  }
0x8f: {  	s10 =	sadd.s32 @!p0 $0x180, s13  }
0x90: {  	[hbm4b:s10+s6] =	stream.linear.scatter @!p0 [tilespmem:s12], [sflag:$0x5], $0x400, $0x38;
	[tilespmem:$0x18000] =	vst v63  }
0x91: {  	s10 =	sadd.s32 @!p0 $0x200, s13  }
0x92: {  	[hbm4b:s10+s6] =	stream.linear.scatter @!p0 [tilespmem:s14], [sflag:$0x5], $0x400, $0x38;
	[tilespmem:$0x18000] =	vst v63  }
0x93: {  	s10 =	sadd.s32 @!p0 $0x280, s13  }
0x94: {  	[hbm4b:s10+s6] =	stream.linear.scatter @!p0 [tilespmem:s8], [sflag:$0x5], $0x400, $0x38;
	[tilespmem:$0x18000] =	vst v63  }
0x95: {  	s8 =	sadd.s32 @!p0 $0x300, s13  }
0x96: {  	[hbm4b:s8+s6] =	stream.linear.scatter @!p0 [tilespmem:s15], [sflag:$0x5], $0x400, $0x38;
	[tilespmem:$0x18000] =	vst v63  }
0x97: {  	s8 =	sadd.s32 @!p0 $0x380, s13  }
0x98: {  	[hbm4b:s8+s6] =	stream.linear.scatter @!p0 [tilespmem:s16], [sflag:$0x5], $0x400, $0x38;
	[tilespmem:$0x18000] =	vst v63  }
0x99: {  	_ =	swait.ge @!p0 [sflag:s17], $0x2000  }
0x9a: {  	s9 =	sadd.s32 $0x1, s9;
	s18 =	rddreg [dreg:$0xb]  }
0x9b: {  	p1 =	sne.s32 s9, s18  }
.Ltmp1:
0x9c: {  	_ = 	snop;
	(pc) =	sbr.rel @p1 .LBB2_1-.Ltmp1, $3  }
0x9d: {  	_ =	sdelay $0x1  }
0x9e: {  	[sflag:s17] =	ssyncset.done @!p0 $0x0  }
0x9f: {  	[sflag:s17] =	ssyncadd.s32 @!p0 $0xFFFFE000  }
0xa0: {  	_ =	sfence.sel $0x180000  }
0xa1: {  	[bflag:$0x0] =	sbarrier.arrive $0xFFFF  }
0xa2: {  	_ =	strace $0x90000047  }
0xa3: {  	s0 =	stileid.u32;
	[bflag:$0x2] =	sbarrier.arrive $0xFFFF  }
0xa4: {  	p0 =	sne.s32 s0, $0x0;
	s0 =	rddreg [dreg:$0x3]  }
0xa5: {  	s0 =	sadd.s32 @!p0 $0x100000, s0  }
0xa6: {  	[sflag:s0] =	ssyncadd.tile.s32 @!p0 $0x1;
	_ =	shalt  }
.Lfunc_end2:
_tile_overlayer_lowered:
.L_overlay_start_2:
0xa7: {  	(tag) =	ssettag $0x2  }
0xa8: {  	s0 =	rddreg [dreg:$0x0];
	s2 =	stileid.u32  }
0xa9: {  	s1 =	rddreg [dreg:$0x1];
	p0 =	sne.s32 s2, $0x0  }
0xaa: {  	s3 =	rddreg [dreg:$0x2];
	[bflag:$0x3] =	sbarrier.arrive $0xFFFF;
	s2 =	simm.s32 @!p0 $0x1C05  }
0xab: {  	[timem:s3], [sflag:s2] =	dma.local @!p0 [hbm:s0], s1  }
0xac: {  	s0 =	simm.s32 @!p0 $0x5  }
0xad: {  	_ =	swait.ge @!p0 [sflag:s0], s1  }
0xae: {  	s1 =	ssub.s32 @!p0 $0x0, s1;
	[sflag:s0] =	ssyncset.done @!p0 $0x0  }
0xaf: {  	[sflag:s0] =	ssyncadd.s32 @!p0 s1  }
0xb0: {  	[bflag:$0x3] =	sbarrier.arrive $0xFFFF  }
0xb1: {  	_ =	shalt  }

// kernel: kernel.7.cloned.1.call-start
scs
__scs_entry_jumppad:
0x0: {  	(pc) =	sbr.rel $0x88, $3  }
0x1: {  	(tag) =	ssettag $0x0;
	lr =	simm.s32 $0x1  }
0x2: {  	[smem:$0x3F9F] =	sst lr;
	_ =	strace $0xD0000000  }
0x3: {  	_ = 	snop  }
0x4: {  	_ = 	snop  }
0x5: {  	_ = 	snop  }
0x6: {  	_ = 	snop  }
0x7: {  	_ = 	snop  }
__scs_overlays_trampoline_lowered:
0x8: {  	[smem:$0x3FAE] =	sst s0  }
0x9: {  	[smem:$0x3FAF] =	sst s1  }
0xa: {  	[smem:$0x3FB0] =	sst s2  }
0xb: {  	[smem:$0x3FB1] =	sst s3  }
0xc: {  	[smem:$0x3FB2] =	sst s4  }
0xd: {  	[smem:$0x3FB3] =	sst s5  }
0xe: {  	[smem:$0x3FB4] =	sst s6  }
0xf: {  	[smem:$0x3FB5] =	sst s7  }
0x10: {  	[smem:$0x3FB6] =	sst s8  }
0x11: {  	[smem:$0x3FB7] =	sst s9;
	s0 =	simm.s32 @!p0 $0x0  }
0x12: {  	s1 =	sld [smem:$0x3F9D];
	s0 =	simm.s32 @p0 $0x1  }
0x13: {  	[smem:$0x3FB8] =	sst s0;
	s0 =	simm.s32 @!p1 $0x0  }
0x14: {  	s2 =	sld [smem:$0x3F9C];
	s0 =	simm.s32 @p1 $0x1  }
0x15: {  	[smem:$0x3FB9] =	sst s0;
	s0 =	simm.s32 @!p2 $0x0  }
0x16: {  	s3 =	sld [smem:$0x3FDB];
	s0 =	simm.s32 @p2 $0x1  }
0x17: {  	s4 =	simm.s32 $0x1BF5;
	[smem:$0x3FBB] =	sst s0  }
0x18: {  	s0 =	sld [smem:$0x3F9E];
	_ =	swait.ge [sflag:s4], $0x0  }
0x19: {  	s7 =	sld [smem:$0x3F9F]  }
0x1a: {  	s8 =	sadd.s32 $0xFFFFE003, lr  }
0x1b: {  	s9 =	sadd.s32 $0xFFFFFEF7, lr;
	s5 =	simm.s32 $0xFFFFFFFF;
	p2 =	slt.u32 s8, $0xFFFFF086  }
0x1c: {  	p1 =	slt.u32 s9, $0xF7A;
	s5 =	simm.s32 @!p2 $0x0  }
0x1d: {  	s5 =	simm.s32 @p1 $0x1;
	p0 =	seq.s32 s7, s2  }
0x1e: {  	s7 =	smul.u32 @!p0 $0xF7A, s2;
	p2 =	seq.s32 @!p0 s5, $0x0  }
0x1f: {  	s9 =	smul.u32 $0xF7A, s1;
	s8 =	simm.s32 @!p0 $0x1BF5;
	p2 =	por !p2, p0  }
0x20: {  	[sflag:s8] =	ssyncset.s32 @!p0 $0xFFFFF086;
	s6 =	sadd.s32 @!p0 s3, s7;
	s7 =	simm.s32 @!p0 $0x108  }
0x21: {  	s3 =	sadd.s32 s3, s9;
	s6 =	sadd.s32 @!p0 $0x88, s6;
	s7 =	simm.s32 @p2 $0x1082  }
0x22: {  	[simem:s7], [sflag:s8] =	dma.local @!p0 [hbm:s6], $0xF7A  }
0x23: {  	s9 =	sor.u32 $0xD0000000, s2;
	s6 =	simm.s32 $0x108;
	_ =	swait.ge @!p0 [sflag:s8], $0x0  }
0x24: {  	s3 =	sadd.s32 $0x88, s3;
	s6 =	simm.s32 @!p1 $0x1082;
	[sflag:s4] =	ssyncset.s32 $0xFFFFF086  }
0x25: {  	[simem:s6], [sflag:s4] =	dma.local [hbm:s3], $0xF7A  }
0x26: {  	[smem:$0x3F9F] =	sst s1;
	(tag) =	ssettag s2;
	_ =	strace s9  }
0x27: {  	s1 =	sld [smem:$0x3FAF]  }
0x28: {  	s2 =	sld [smem:$0x3FB0]  }
0x29: {  	s4 =	sld [smem:$0x3FB2]  }
0x2a: {  	p0 =	seq.s32 s5, $0x0;
	s5 =	sld [smem:$0x3FB3]  }
0x2b: {  	s6 =	sld [smem:$0x3FB4]  }
0x2c: {  	s7 =	sld [smem:$0x3FB5]  }
0x2d: {  	s3 =	simm.s32 $0x108;
	s8 =	sld [smem:$0x3FB6]  }
0x2e: {  	s3 =	simm.s32 @!p0 $0x1082;
	s9 =	sld [smem:$0x3FB7]  }
0x2f: {  	lr =	sadd.s32 s0, s3;
	s0 =	sld [smem:$0x3FAE]  }
0x30: {  	s3 =	sld [smem:$0x3FB1]  }
0x31: {  	[smem:$0x3FBA] =	sst s10  }
0x32: {  	s10 =	sld [smem:$0x3FB8];
	_ =	sdelay $0x3  }
0x33: {  	p0 =	seq.s32 s10, $0x1;
	s10 =	sld [smem:$0x3FBA];
	_ =	sdelay $0x3  }
0x34: {  	[smem:$0x3FBA] =	sst s10  }
0x35: {  	s10 =	sld [smem:$0x3FB9];
	_ =	sdelay $0x3  }
0x36: {  	p1 =	seq.s32 s10, $0x1;
	s10 =	sld [smem:$0x3FBA];
	_ =	sdelay $0x3  }
0x37: {  	[smem:$0x3FBA] =	sst s10  }
0x38: {  	s10 =	sld [smem:$0x3FBB]  }
0x39: {  	_ = 	snop;
	(pc) =	sbr.ind lr, $3  }
0x3a: {  	_ = 	snop  }
0x3b: {  	_ = 	snop  }
0x3c: {  	p2 =	seq.s32 s10, $0x1;
	s10 =	sld [smem:$0x3FBA]  }
0x3d: {  	_ =	shalt  }
0x3e: {  	_ =	shalt  }
0x3f: {  	_ =	shalt  }
0x40: {  	_ =	shalt  }
0x41: {  	_ =	shalt  }
0x42: {  	_ =	shalt  }
0x43: {  	_ =	shalt  }
0x44: {  	_ =	shalt  }
0x45: {  	_ =	shalt  }
0x46: {  	_ =	shalt  }
0x47: {  	_ =	shalt  }
0x48: {  	_ =	shalt  }
0x49: {  	_ =	shalt  }
0x4a: {  	_ =	shalt  }
0x4b: {  	_ =	shalt  }
0x4c: {  	_ =	shalt  }
0x4d: {  	_ =	shalt  }
0x4e: {  	_ =	shalt  }
0x4f: {  	_ =	shalt  }
0x50: {  	_ =	shalt  }
0x51: {  	_ =	shalt  }
0x52: {  	_ =	shalt  }
0x53: {  	_ =	shalt  }
0x54: {  	_ =	shalt  }
0x55: {  	_ =	shalt  }
0x56: {  	_ =	shalt  }
0x57: {  	_ =	shalt  }
0x58: {  	_ =	shalt  }
0x59: {  	_ =	shalt  }
0x5a: {  	_ =	shalt  }
0x5b: {  	_ =	shalt  }
0x5c: {  	_ =	shalt  }
0x5d: {  	_ =	shalt  }
0x5e: {  	_ =	shalt  }
0x5f: {  	_ =	shalt  }
0x60: {  	_ =	shalt  }
0x61: {  	_ =	shalt  }
0x62: {  	_ =	shalt  }
0x63: {  	_ =	shalt  }
0x64: {  	_ =	shalt  }
0x65: {  	_ =	shalt  }
0x66: {  	_ =	shalt  }
0x67: {  	_ =	shalt  }
0x68: {  	_ =	shalt  }
0x69: {  	_ =	shalt  }
0x6a: {  	_ =	shalt  }
0x6b: {  	_ =	shalt  }
0x6c: {  	_ =	shalt  }
0x6d: {  	_ =	shalt  }
0x6e: {  	_ =	shalt  }
0x6f: {  	_ =	shalt  }
0x70: {  	_ =	shalt  }
0x71: {  	_ =	shalt  }
0x72: {  	_ =	shalt  }
0x73: {  	_ =	shalt  }
0x74: {  	_ =	shalt  }
0x75: {  	_ =	shalt  }
0x76: {  	_ =	shalt  }
0x77: {  	_ =	shalt  }
0x78: {  	_ =	shalt  }
0x79: {  	_ =	shalt  }
0x7a: {  	_ =	shalt  }
0x7b: {  	_ =	shalt  }
0x7c: {  	_ =	shalt  }
0x7d: {  	_ =	shalt  }
0x7e: {  	_ =	shalt  }
0x7f: {  	_ =	shalt  }
0x80: {  	_ =	shalt  }
0x81: {  	_ =	shalt  }
0x82: {  	_ =	shalt  }
0x83: {  	_ =	shalt  }
0x84: {  	_ =	shalt  }
0x85: {  	_ =	shalt  }
0x86: {  	_ =	shalt  }
0x87: {  	_ =	shalt  }
.Lfunc_end0:
.L_simem_size_0:
called_computation.1_lowered:
.L_overlay_start_0:
0x88: {  	s2 =	sld [smem:$0x3FD9]  }
0x89: {  	s3 =	sld [smem:$0x3FFE];
	_ =	sdelay $0x1  }
0x8a: {  	s1 =	srdreg.scid  }
0x8b: {  	s0 =	sand.u32 $0x1, s1  }
0x8c: {  	s17 =	sshll.u32 s0, $0xA;
	s2 =	sadd.s32 s3, s2  }
0x8d: {  	s2 =	sadd.s32 s2, s17  }
0x8e: {  	[smem:$0x3FC6] =	sst s2  }
0x8f: {  	_ = 	snop  }
0x90: {  	s2 =	sld [smem:$0x3FC9]  }
0x91: {  	s18 =	sld [smem:$0x3FD0];
	(tm) =	ssettm $0x1  }
0x92: {  	s4 =	sld [smem:$0x3FFB];
	_ =	sdelay $0x3  }
0x93: {  	_ =	strace s4  }
0x94: {  	s4 =	sld [smem:$0x3FFC];
	_ =	sdelay $0x3  }
0x95: {  	_ =	strace s4  }
0x96: {  	s4 =	sld [smem:$0x3FFD];
	_ =	sdelay $0x3  }
0x97: {  	_ =	strace s4  }
0x98: {  	_ =	strace $0x8FFFFFFF  }
0x99: {  	s19 =	sld [smem:$0x3FDB];
	_ =	sdelay $0x1  }
0x9a: {  	s5 =	simm.s32 $_scs_section_size  }
0x9b: {  	s6 =	simm.s32 $_size__tile_overlayer_lowered;
	s7 =	simm.s32 $_tile_overlayer_lowered  }
0x9c: {  	s22 =	simm.s32 $0x1BFF;
	s21 =	sshll.u32 s7, $0x1;
	s4 =	sadd.s32 s5, s19  }
0x9d: {  	s8 =	simm.s32 $0x0;
	s20 =	sshll.u32 s6, $0x1;
	s6 =	sadd.s32 s21, s4  }
0x9e: {  	[timem:s8], [sflag:s22] =	dma.local [hbm:s6], s20  }
0x9f: {  	_ =	swait.ge [sflag:s22], s20  }
0xa0: {  	s5 =	ssub.s32 $0x0, s20;
	[sflag:s22] =	ssyncset.done $0x0  }
0xa1: {  	[sflag:s22] =	ssyncadd.s32 s5;
	_ =	sdelay $0x1  }
0xa2: {  	s23 =	simm.s32 $0x1B8B  }
0xa3: {  	_ =	swait.ge [sflag:s23], $0x1  }
0xa4: {  	[sflag:s23] =	ssyncset.done $0x0  }
0xa5: {  	s25 =	simm.s32 $0x1B8E;
	s24 =	sld [smem:$0x3FFE];
	[sflag:s23] =	ssyncadd.s32 $0xFFFFFFFF  }
0xa6: {  	s26 =	simm.s32 $execute0_lowered;
	[smem:$0x3FD2] =	sst s25  }
0xa7: {  	s6 =	sshll.u32 s26, $0x1;
	_ =	strace $0x80000049;
	[dreg:$0x1] =	wrdreg $0xFFFFFFFF  }
0xa8: {  	s28 =	simm.s32 $_size_execute0_lowered;
	s4 =	sadd.s32 s4, s6;
	[dreg:$0x0] =	wrdreg $0x0  }
0xa9: {  	s6 =	sshll.u32 s28, $0x1;
	[dreg:$0x2] =	wrdreg s4  }
0xaa: {  	[dreg:$0x3] =	wrdreg s6  }
0xab: {  	[dreg:$0x4] =	wrdreg $0xC0  }
0xac: {  	_ =	task [dreg:s8], $0x5FFFF  }
0xad: {  	[dreg:$0x1] =	wrdreg $0xFFFFFFFF  }
0xae: {  	[dreg:$0x0] =	wrdreg $0x60  }
0xaf: {  	[dreg:$0x2] =	wrdreg s2  }
0xb0: {  	[dreg:$0x3] =	wrdreg s24  }
0xb1: {  	[dreg:$0x4] =	wrdreg s18  }
0xb2: {  	[dreg:$0x5] =	wrdreg $0x9  }
0xb3: {  	_ =	task.clear_ibuf [dreg:s8], $0x6FFFF;
	_ =	strace $0x90000049  }
0xb4: {  	s29 =	simm.s32 $0x9;
	_ =	strace $0x8000004B  }
0xb5: {  	_ =	swait.ge [sflag:s29], $0x1  }
0xb6: {  	[sflag:s29] =	ssyncadd.s32 $0xFFFFFFFF  }
0xb7: {  	_ =	strace $0x9000004B  }
0xb8: {  	_ =	sfence  }
0xb9: {  	s30 =	sld [smem:$0x0];
	_ =	sdelay $0x2  }
0xba: {  	s31 =	sshll.u32 s1, $0xD;
	s1 =	sshrl.u32 s1, $0x2  }
0xbb: {  	s3 =	sand.u32 $0x4000, s31;
	s1 =	sadd.s32 s1, s30  }
0xbc: {  	s0 =	sor.u32 s3, s0;
	s1 =	sshll.u32 s1, $0x11  }
0xbd: {  	s0 =	sor.u32 s1, s0  }
0xbe: {  	s0 =	sadd.s32 $0x8F2B, s0  }
0xbf: {  	[sflag:s0] =	ssyncadd.remote.s32 $0x1  }
0xc0: {  	_ =	sfence.sel $0xFFFF  }
0xc1: {  	[dreg:$0x0] =	wrdreg $0xFFFFFFFF;
	(pc) =	sbr.abs _section_cstart, $3  }
0xc2: {  	[dreg:$0x1] =	wrdreg $0xFFFFFFFF  }
0xc3: {  	_ =	task.clear_ibuf [dreg:s8], $0x2FFFF;
	_ =	strace $0x9FFFFFFF  }
0xc4: {  	(tm) =	ssettm $0x7FFFFFFF  }
0xc5: {  	_ =	shalt  }
tec
execute0_lowered:
.L_overlay_start_1:
0x0: {  	(tag) =	ssettag $0x1  }
0x1: {  	s4 =	rddreg [dreg:$0x0]  }
0x2: {  	s0 =	rddreg [dreg:$0x1];
	s1 =	srdreg.scid  }
0x3: {  	s5 =	rddreg [dreg:$0x2];
	s2 =	stileid.u32;
	s1 =	sand.u32 $0x1, s1  }
0x4: {  	s6 =	simm.s32 $0x0;
	s2 =	sshll.u32 s2, $0xA;
	s3 =	sshll.u32 s1, $0x9  }
0x5: {  	[smem:$0x7FF] =	sst s6;
	s0 =	sadd.s32 $0x800, s0;
	s2 =	sor.u32 s3, s2  }
0x6: {  	_ =	strace $0x8000004A;
	[dreg:$0x6] =	wrdreg s0;
	s4 =	sadd.s32 s4, s2  }
0x7: {  	s17 =	sadd.s32 s5, s2;
	[dreg:$0x12] =	wrdreg s4  }
0x8: {  	s14 =	sadd.s32 $0x10, s4;
	[dreg:$0x16] =	wrdreg s17  }
0x9: {  	s15 =	sadd.s32 $0x20, s4;
	[dreg:$0x13] =	wrdreg s14  }
0xa: {  	s16 =	sadd.s32 $0x30, s4;
	[dreg:$0x14] =	wrdreg s15  }
0xb: {  	s18 =	sadd.s32 $0x40, s4;
	[dreg:$0x15] =	wrdreg s16  }
0xc: {  	s19 =	sadd.s32 $0x50, s4;
	[dreg:$0x17] =	wrdreg s18  }
0xd: {  	s20 =	sadd.s32 $0x20000, s17;
	[dreg:$0x18] =	wrdreg s19  }
0xe: {  	s21 =	sadd.s32 $0x60, s4;
	[dreg:$0x19] =	wrdreg s20  }
0xf: {  	s22 =	sadd.s32 $0x40000, s17;
	[dreg:$0x1a] =	wrdreg s21  }
0x10: {  	s23 =	sadd.s32 $0x70, s4;
	[dreg:$0x1b] =	wrdreg s22  }
0x11: {  	s24 =	sadd.s32 $0x60000, s17;
	[dreg:$0x1c] =	wrdreg s23  }
0x12: {  	s25 =	sadd.s32 $0x5C0180, s17;
	[dreg:$0x1d] =	wrdreg s24  }
0x13: {  	s1 =	ssub.s32 $0x2, s1;
	s26 =	sadd.s32 $0x5E0180, s17;
	[dreg:$0x1e] =	wrdreg s25  }
0x14: {  	s12 =	sshrl.u32 s1, $0x1;
	s29 =	sadd.s32 $0x600180, s17;
	[dreg:$0x1f] =	wrdreg s26  }
0x15: {  	s13 =	ssub.s32 s1, s12;
	s31 =	sadd.s32 $0x620180, s17;
	[smem:$0x7FB] =	sst s29  }
0x16: {  	s0 =	smax.u32 s13, $0x1;
	[smem:$0x7FC] =	sst s31  }
0x17: {  	s15 =	sshll.u32 s2, $0x3;
	[smem:$0x7FD] =	sst s0  }
0x18: {  	s20 =	sshrl.u32 s2, $0x7;
	[dreg:$0xa] =	wrdreg s15  }
0x19: {  	s28 =	sor.u32 $0x700000, s15;
	[dreg:$0xb] =	wrdreg s20  }
0x1a: {  	s30 =	sor.u32 $0x600000, s15;
	[dreg:$0x4] =	wrdreg s28  }
0x1b: {  	s1 =	simm.s32 $0x0;
	[dreg:$0x5] =	wrdreg s30  }
.LBB2_1:
0x1c: {  	[smem:$0x7FA] =	sst s1  }
0x1d: {  	s12 =	simm.s32 $0x0;
	s0 =	rddreg [dreg:$0x12]  }
0x1e: {  	[tilespmem:s12], [sflag:$0x1] =	stream.linear.gather [hbm4b:s0+s12], $0x80, $0x38;
	[tilespmem:$0xC200] =	vst v63  }
0x1f: {  	s5 =	rddreg [dreg:$0x13];
	s29 =	simm.s32 $0x80  }
0x20: {  	[tilespmem:s29], [sflag:$0x2] =	stream.linear.gather [hbm4b:s5+s12], $0x80, $0x38;
	[tilespmem:$0xC200] =	vst v63  }
0x21: {  	s6 =	rddreg [dreg:$0x14];
	s7 =	simm.s32 $0x100  }
0x22: {  	[tilespmem:s7], [sflag:$0x3] =	stream.linear.gather [hbm4b:s6+s12], $0x80, $0x38;
	[tilespmem:$0xC200] =	vst v63  }
0x23: {  	s8 =	rddreg [dreg:$0x15];
	s9 =	simm.s32 $0x180;
	s2 =	simm.s32 $0x1  }
0x24: {  	[tilespmem:s9], [sflag:$0x4] =	stream.linear.gather [hbm4b:s8+s12], $0x80, $0x38;
	[tilespmem:$0xC200] =	vst v63  }
0x25: {  	_ =	swait.ge [sflag:s2], $0x80  }
0x26: {  	s23 =	simm.s32 $0x200;
	[sflag:s2] =	ssyncset.done $0x0  }
0x27: {  	s3 =	simm.s32 $0x2;
	s14 =	rddreg [dreg:$0x6];
	[sflag:s2] =	ssyncadd.s32 $0xFFFFFF80  }
0x28: {  	[tilespmem:s23], [sflag:$0x5] =	stream.indirect.gather [hbm4b:s14+s29], $0x80, s12, s29, $0xb8;
	[tilespmem:$0xC200] =	vst v63  }
0x29: {  	_ =	swait.ge [sflag:s3], $0x80  }
0x2a: {  	[sflag:s3] =	ssyncset.done $0x0  }
0x2b: {  	s4 =	simm.s32 $0x4200;
	s17 =	simm.s32 $0x5;
	[sflag:s3] =	ssyncadd.s32 $0xFFFFFF80  }
0x2c: {  	[tilespmem:s4], [sflag:$0x6] =	stream.indirect.gather [hbm4b:s14+s29], $0x80, s29, s29, $0xb8;
	[tilespmem:$0xC200] =	vst v63  }
0x2d: {  	_ =	swait.ge [sflag:s17], $0x4000  }
0x2e: {  	s19 =	simm.s32 $0x400;
	[sflag:s17] =	ssyncset.done $0x0  }
0x2f: {  	s28 =	simm.s32 $0x8200;
	s10 =	rddreg [dreg:$0x17];
	[sflag:s17] =	ssyncadd.s32 $0xFFFFC000  }
0x30: {  	[tilespmem:s12], [sflag:$0x1] =	stream.linear.gather [hbm4b:s10+s12], $0x80, $0x38;
	[tilespmem:$0xC200] =	vst v63  }
0x31: {  	s26 =	simm.s32 $0x20000;
	s22 =	simm.s32 $0x3;
	s11 =	rddreg [dreg:$0x16]  }
0x32: {  	[hbm4b:s11+s19] =	stream.strided.scatter [tilespmem:s28], [sflag:$0x7], $0x2000, s26, s19, $0x38;
	[tilespmem:$0xC200] =	vst v63  }
0x33: {  	_ =	swait.ge [sflag:s22], $0x80  }
0x34: {  	[sflag:s22] =	ssyncset.done $0x0  }
0x35: {  	s31 =	simm.s32 $0x6;
	s6 =	simm.s32 $0x100;
	[sflag:s22] =	ssyncadd.s32 $0xFFFFFF80  }
0x36: {  	[tilespmem:s23], [sflag:$0x5] =	stream.indirect.gather [hbm4b:s14+s29], $0x80, s6, s29, $0xb8;
	[tilespmem:$0xC200] =	vst v63  }
0x37: {  	_ =	swait.ge [sflag:s31], $0x4000  }
0x38: {  	[sflag:s31] =	ssyncset.done $0x0  }
0x39: {  	s13 =	rddreg [dreg:$0x18];
	[sflag:s31] =	ssyncadd.s32 $0xFFFFC000  }
0x3a: {  	[tilespmem:s29], [sflag:$0x2] =	stream.linear.gather [hbm4b:s13+s12], $0x80, $0x38;
	[tilespmem:$0xC200] =	vst v63  }
0x3b: {  	s5 =	simm.s32 $0xA200;
	s11 =	simm.s32 $0x4;
	s16 =	rddreg [dreg:$0x19]  }
0x3c: {  	[hbm4b:s16+s19] =	stream.strided.scatter [tilespmem:s5], [sflag:$0x8], $0x2000, s26, s19, $0x38;
	[tilespmem:$0xC200] =	vst v63  }
0x3d: {  	_ =	swait.ge [sflag:s11], $0x80  }
0x3e: {  	[sflag:s11] =	ssyncset.done $0x0  }
0x3f: {  	[sflag:s11] =	ssyncadd.s32 $0xFFFFFF80  }
0x40: {  	[tilespmem:s4], [sflag:$0x6] =	stream.indirect.gather [hbm4b:s14+s29], $0x80, s9, s29, $0xb8;
	[tilespmem:$0xC200] =	vst v63  }
0x41: {  	s25 =	simm.s32 $0x7;
	_ =	swait.ge [sflag:s17], $0x4000  }
0x42: {  	s1 =	simm.s32 $0x8;
	s7 =	simm.s32 $0xA;
	[sflag:s17] =	ssyncset.done $0x0  }
0x43: {  	s7 =	smulhi.u32 $0x51EB851F, s7;
	s18 =	rddreg [dreg:$0x1a];
	[sflag:s17] =	ssyncadd.s32 $0xFFFFC000  }
0x44: {  	[tilespmem:s6], [sflag:$0x3] =	stream.linear.gather [hbm4b:s18+s12], $0x80, $0x38;
	[tilespmem:$0xC200] =	vst v63  }
0x45: {  	s30 =	simm.s32 $0x8;
	s0 =	simm.s32 $0xB;
	_ =	swait.ge [sflag:s25], $0x2000  }
0x46: {  	s7 =	sshrl.u32 s7, $0x4;
	s10 =	smulhi.u32 $0x51EB851F, s25;
	[sflag:s25] =	ssyncset.done $0x0  }
0x47: {  	s11 =	smulhi.u32 $0x51EB851F, s11;
	s21 =	rddreg [dreg:$0x1b];
	[sflag:s25] =	ssyncadd.s32 $0xFFFFE000  }
0x48: {  	[hbm4b:s21+s19] =	stream.strided.scatter [tilespmem:s28], [sflag:$0x7], $0x2000, s26, s19, $0x38;
	[tilespmem:$0xC200] =	vst v63  }
0x49: {  	s16 =	smulhi.u32 $0x51EB851F, s1;
	s11 =	sshrl.u32 s11, $0x4;
	_ =	swait.ge [sflag:s2], $0x80  }
0x4a: {  	s13 =	simm.s32 $0x8;
	s11 =	smul.u32 $0x31FFC00, s11;
	[sflag:s2] =	ssyncset.done $0x0  }
0x4b: {  	s18 =	simm.s32 $0xF;
	[sflag:s2] =	ssyncadd.s32 $0xFFFFFF80;
	s2 =	simm.s32 $0x9  }
0x4c: {  	[tilespmem:s23], [sflag:$0x5] =	stream.indirect.gather [hbm4b:s14+s29], $0x80, s12, s29, $0xb8;
	[tilespmem:$0xC200] =	vst v63  }
0x4d: {  	s6 =	simm.s32 $0x38000;
	s2 =	smulhi.u32 $0x51EB851F, s2;
	_ =	swait.ge [sflag:s31], $0x4000  }
0x4e: {  	s11 =	ssub.s32 s15, s11;
	s15 =	smul.u32 $0x1900, s7;
	[sflag:s31] =	ssyncset.done $0x0  }
0x4f: {  	s24 =	rddreg [dreg:$0x1c];
	s2 =	sshrl.u32 s2, $0x4;
	[sflag:s31] =	ssyncadd.s32 $0xFFFFC000  }
0x50: {  	[tilespmem:s9], [sflag:$0x4] =	stream.linear.gather [hbm4b:s24+s12], $0x80, $0x38;
	[tilespmem:$0xC200] =	vst v63  }
0x51: {  	s21 =	sshrl.u32 s16, $0x4;
	s16 =	smul.u32 $0xC8000, s2;
	_ =	swait.ge [sflag:s1], $0x2000  }
0x52: {  	s11 =	sadd.s32 $0x0, s11;
	s2 =	smul.u32 $0x1900, s2;
	[sflag:s1] =	ssyncset.done $0x0  }
0x53: {  	s9 =	smulhi.u32 $0x51EB851F, s31;
	s8 =	rddreg [dreg:$0x1d];
	[sflag:s1] =	ssyncadd.s32 $0xFFFFE000  }
0x54: {  	[hbm4b:s8+s19] =	stream.strided.scatter [tilespmem:s5], [sflag:$0x8], $0x2000, s26, s19, $0x38;
	[tilespmem:$0xC200] =	vst v63  }
0x55: {  	s2 =	ssub.s32 $0x0, s2;
	s8 =	sshrl.u32 s9, $0x4;
	s9 =	simm.s32 $0x3C000  }
0x56: {  	_ =	swait.ge [sflag:s3], $0x80;
	[dreg:$0x8] =	wrdreg s9;
	s9 =	simm.s32 $0x9  }
0x57: {  	s8 =	smul.u32 $0x31FFC00, s8;
	[sflag:s3] =	ssyncset.done $0x0;
	s9 =	sand.u32 $0xFF, s9  }
0x58: {  	[sflag:s3] =	ssyncadd.s32 $0xFFFFFF80;
	s3 =	sshrl.u32 s10, $0x4;
	s10 =	smul.u32 $0x1900, s21  }
0x59: {  	s24 =	simm.s32 $0x34000;
	s2 =	sadd.s32 $0x480, s2;
	s9 =	smul.u32 $0x29, s9  }
0x5a: {  	[tilespmem:s4], [sflag:$0x6] =	stream.indirect.gather [hbm4b:s14+s29], $0x80, s29, s29, $0xb8;
	[tilespmem:$0xC200] =	vst v63  }
0x5b: {  	s2 =	sand.u32 $0x380, s2;
	[dreg:$0x7] =	wrdreg s6;
	s1 =	smul.u32 $0x31FFC00, s3  }
0x5c: {  	s4 =	sand.u32 $0xFF, s13;
	s13 =	simm.s32 $0xE;
	s3 =	smul.u32 $0xC8000, s21  }
0x5d: {  	s21 =	sadd.s32 $0x400000, s11;
	s4 =	smul.u32 $0x29, s4;
	[dreg:$0x9] =	wrdreg s13  }
0x5e: {  	s5 =	ssub.s32 $0x0, s10;
	s9 =	sshrl.u32 s9, $0xB;
	s13 =	simm.s32 $0xA  }
0x5f: {  	s3 =	ssub.s32 $0x20000, s3;
	s5 =	sadd.s32 $0x400, s5;
	s9 =	sadd.s32 s9, s20  }
0x60: {  	s13 =	sand.u32 $0xFF, s13;
	s4 =	sshrl.u32 s4, $0xB;
	s3 =	sand.u32 $0xFFFE0000, s3  }
0x61: {  	s10 =	sand.u32 $0x300, s5;
	s5 =	simm.s32 $0xD;
	s4 =	sadd.s32 s4, s20  }
0x62: {  	s9 =	sshll.u32 s9, $0xA;
	s13 =	smul.u32 $0x29, s13;
	s4 =	sshll.u32 s4, $0xA  }
0x63: {  	s3 =	sadd.s32 s4, s3;
	s4 =	ssub.s32 $0x24000, s16;
	s16 =	rddreg [dreg:$0x4]  }
0x64: {  	s3 =	sor.u32 s10, s3;
	s10 =	simm.s32 $0x200;
	s4 =	sand.u32 $0xFFFE0000, s4  }
0x65: {  	s1 =	ssub.s32 s16, s1;
	s16 =	sadd.s32 $0x500000, s11;
	s3 =	sshrl.u32 s3, $0x3  }
0x66: {  	s4 =	sadd.s32 s9, s4;
	s9 =	rddreg [dreg:$0x5];
	_ =	swait.ge [sflag:s17], $0x4000  }
0x67: {  	s1 =	sadd.s32 $0x0, s1;
	s6 =	rddreg [dreg:$0x0];
	[sflag:s17] =	ssyncset.done $0x0  }
0x68: {  	s2 =	sor.u32 s2, s4;
	s4 =	ssub.s32 $0x0, s15;
	s1 =	sshrl.u32 s1, $0x3  }
0x69: {  	s3 =	sadd.s32 s6, s3;
	[sflag:s17] =	ssyncadd.s32 $0xFFFFC000;
	s17 =	sshrl.u32 s21, $0x3  }
0x6a: {  	[tilespmem:s12], [sflag:$0x1] =	stream.linear.gather [hbm4b:s3+s12], $0x80, $0x38;
	[tilespmem:$0xC200] =	vst v63  }
0x6b: {  	s21 =	ssub.s32 s9, s8;
	s4 =	sadd.s32 $0x500, s4;
	_ =	swait.ge [sflag:s25], $0x2000  }
0x6c: {  	s15 =	sshrl.u32 s2, $0x3;
	s3 =	smul.u32 $0xC8000, s7;
	[sflag:s25] =	ssyncset.done $0x0  }
0x6d: {  	s2 =	sshrl.u32 s16, $0x3;
	s4 =	sand.u32 $0x300, s4;
	[sflag:s25] =	ssyncadd.s32 $0xFFFFE000  }
0x6e: {  	s21 =	sadd.s32 $0x0, s21;
	s3 =	ssub.s32 $0x28000, s3;
	s25 =	rddreg [dreg:$0x2]  }
0x6f: {  	s3 =	sand.u32 $0xFFFE0000, s3;
	s17 =	sadd.s32 s25, s17;
	s25 =	smulhi.u32 $0x51EB851F, s0  }
0x70: {  	[hbm4b:s17+s19] =	stream.strided.scatter [tilespmem:s28], [sflag:$0x7], $0x2000, s26, s19, $0x38;
	[tilespmem:$0xC200] =	vst v63  }
0x71: {  	s0 =	sand.u32 $0xFF, s0;
	s17 =	simm.s32 $0x30000;
	s19 =	simm.s32 $0xC  }
0x72: {  	s26 =	sshrl.u32 s13, $0xB;
	s28 =	simm.s32 $0x400000;
	s0 =	smul.u32 $0x29, s0  }
0x73: {  	s9 =	sadd.s32 s26, s20;
	s26 =	simm.s32 $0xB;
	_ =	swait.ge [sflag:s22], $0x80  }
0x74: {  	s9 =	sshll.u32 s9, $0xA;
	[sflag:s22] =	ssyncset.done $0x0;
	s0 =	sshrl.u32 s0, $0xB  }
0x75: {  	s3 =	sadd.s32 s9, s3;
	s9 =	sshrl.u32 s25, $0x4;
	[sflag:s22] =	ssyncadd.s32 $0xFFFFFF80  }
0x76: {  	s0 =	sadd.s32 s0, s20;
	s25 =	simm.s32 $0x100;
	s12 =	smul.u32 $0x1900, s9  }
0x77: {  	s13 =	sor.u32 s4, s3;
	s3 =	smul.u32 $0xC8000, s9;
	s0 =	sshll.u32 s0, $0xA  }
0x78: {  	[tilespmem:s23], [sflag:$0x5] =	stream.indirect.gather [hbm4b:s14+s29], $0x80, s25, s29, $0xb8;
	[tilespmem:$0xC200] =	vst v63  }
0x79: {  	_ =	swait.ge [sflag:s31], $0x4000;
	s3 =	ssub.s32 $0x2C000, s3;
	s4 =	ssub.s32 $0x0, s12  }
0x7a: {  	[sflag:s31] =	ssyncset.done $0x0;
	s3 =	sand.u32 $0xFFFE0000, s3;
	s4 =	sadd.s32 $0x580, s4  }
0x7b: {  	[sflag:s31] =	ssyncadd.s32 $0xFFFFC000;
	s0 =	sadd.s32 s0, s3;
	s29 =	sand.u32 $0x380, s4  }
0x7c: {  	s3 =	sadd.s32 s6, s15;
	s4 =	sor.u32 s29, s0;
	s0 =	simm.s32 $0xA  }
.LBB2_2:
0x7d: {  	s7 =	simm.s32 $0x0  }
0x7e: {  	s6 =	simm.s32 $0x80;
	s15 =	simm.s32 $0x80;
	s16 =	rddreg [dreg:$0x7]  }
0x7f: {  	s11 =	smov.u32 s18;
	s23 =	rddreg [dreg:$0x8];
	s12 =	smulhi.u32 $0x51EB851F, s0  }
0x80: {  	p0 =	sne.s32 s18, $0xC7;
	s25 =	simm.s32 $0x8;
	s18 =	sadd.s32 $0x4, s18  }
0x81: {  	s14 =	simm.s32 $0x400;
	s22 =	simm.s32 $0xA200;
	s29 =	simm.s32 $0x20000  }
0x82: {  	s13 =	sshrl.u32 s13, $0x3;
	s4 =	sshrl.u32 s4, $0x3;
	s0 =	sadd.s32 $0x4, s0  }
0x83: {  	[tilespmem:s6], [sflag:$0x2] =	stream.linear.gather [hbm4b:s3+s7], $0x80, $0x38;
	[tilespmem:$0xC200] =	vst v63  }
0x84: {  	s8 =	smov.u32 s16;
	s9 =	smov.u32 s23;
	s7 =	simm.s32 $0x180  }
0x85: {  	s6 =	sadd.s32 $0xFFFFFFFD, s11;
	s16 =	sadd.s32 $0x10000, s16;
	[dreg:$0xf] =	wrdreg s8  }
0x86: {  	s23 =	sadd.s32 $0x10000, s23;
	[dreg:$0xd] =	wrdreg s9;
	s3 =	sshrl.u32 s12, $0x4  }
0x87: {  	s12 =	smov.u32 s5;
	s9 =	smov.u32 s10;
	_ =	swait.ge [sflag:s25], $0x2000  }
0x88: {  	[dreg:$0x11] =	wrdreg s3;
	s3 =	smulhi.u32 $0x51EB851F, s26;
	[sflag:s25] =	ssyncset.done $0x0  }
0x89: {  	s12 =	smulhi.u32 $0x51EB851F, s12;
	s31 =	rddreg [dreg:$0x9];
	[sflag:s25] =	ssyncadd.s32 $0xFFFFE000  }
0x8a: {  	s26 =	sadd.s32 $0x4, s26;
	s20 =	smov.u32 s31;
	s8 =	rddreg [dreg:$0x2]  }
0x8b: {  	s3 =	sshrl.u32 s3, $0x4;
	s2 =	sadd.s32 s8, s2;
	s8 =	simm.s32 $0x4  }
0x8c: {  	[hbm4b:s2+s14] =	stream.strided.scatter [tilespmem:s22], [sflag:$0x8], $0x2000, s29, s14, $0x38;
	[tilespmem:$0xC200] =	vst v63  }
0x8d: {  	s31 =	sadd.s32 $0x4, s31;
	s3 =	smul.u32 $0x31FFC00, s3;
	_ =	swait.ge [sflag:s8], $0x80  }
0x8e: {  	s12 =	sshrl.u32 s12, $0x4;
	s20 =	smulhi.u32 $0x51EB851F, s20;
	[sflag:s8] =	ssyncset.done $0x0  }
0x8f: {  	s22 =	simm.s32 $0x4200;
	s29 =	rddreg [dreg:$0x6];
	[sflag:s8] =	ssyncadd.s32 $0xFFFFFF80  }
0x90: {  	[tilespmem:s22], [sflag:$0x6] =	stream.indirect.gather [hbm4b:s29+s15], $0x80, s7, s15, $0xb8;
	[tilespmem:$0xC200] =	vst v63  }
0x91: {  	s2 =	smov.u32 s24;
	s14 =	smov.u32 s17;
	s22 =	simm.s32 $0x5  }
0x92: {  	s17 =	sadd.s32 $0x10000, s17;
	_ =	swait.ge [sflag:s22], $0x4000;
	[dreg:$0x7] =	wrdreg s16  }
0x93: {  	s8 =	smov.u32 s28;
	s28 =	sadd.s32 $0x400000, s28;
	[dreg:$0x8] =	wrdreg s23  }
0x94: {  	s15 =	sand.u32 $0xFF, s6;
	s16 =	smulhi.u32 $0x51EB851F, s19;
	[dreg:$0x9] =	wrdreg s31  }
0x95: {  	s15 =	smul.u32 $0x29, s15;
	s23 =	sadd.s32 $0x10000, s24;
	[dreg:$0x10] =	wrdreg s3  }
0x96: {  	s24 =	simm.s32 $0x100;
	[dreg:$0xc] =	wrdreg s23;
	[sflag:s22] =	ssyncset.done $0x0  }
0x97: {  	s31 =	simm.s32 $0x0;
	s19 =	sadd.s32 $0x4, s19;
	s3 =	rddreg [dreg:$0x0]  }
0x98: {  	s6 =	sshrl.u32 s16, $0x4;
	s15 =	sshrl.u32 s15, $0xB;
	[sflag:s22] =	ssyncadd.s32 $0xFFFFC000  }
0x99: {  	s16 =	sadd.s32 $0x200, s10;
	s13 =	sadd.s32 s3, s13;
	s23 =	smul.u32 $0x1900, s6  }
0x9a: {  	[tilespmem:s24], [sflag:$0x3] =	stream.linear.gather [hbm4b:s13+s31], $0x80, $0x38;
	[tilespmem:$0xC200] =	vst v63  }
0x9b: {  	s6 =	smul.u32 $0xC8000, s6;
	s24 =	rddreg [dreg:$0xb];
	s31 =	sadd.s32 $0x4, s5  }
0x9c: {  	s5 =	simm.s32 $0x400;
	s15 =	sadd.s32 s15, s24;
	[dreg:$0xe] =	wrdreg s31  }
0x9d: {  	s13 =	ssub.s32 s9, s23;
	s6 =	ssub.s32 s14, s6;
	s14 =	smul.u32 $0xC8000, s12  }
0x9e: {  	s31 =	rddreg [dreg:$0x2];
	s23 =	simm.s32 $0x7;
	s12 =	smul.u32 $0x1900, s12  }
0x9f: {  	s13 =	sadd.s32 $0x400, s13;
	s6 =	sand.u32 $0xFFFE0000, s6;
	s10 =	sshll.u32 s15, $0xA  }
0xa0: {  	s15 =	sshrl.u32 s21, $0x3;
	s21 =	sadd.s32 $0xFFFFFFFE, s11;
	_ =	swait.ge [sflag:s23], $0x2000  }
0xa1: {  	s6 =	sadd.s32 s10, s6;
	s13 =	sand.u32 $0x300, s13;
	[sflag:s23] =	ssyncset.done $0x0  }
0xa2: {  	s10 =	simm.s32 $0x20000;
	s6 =	sor.u32 s13, s6;
	s13 =	sadd.s32 s31, s15  }
0xa3: {  	s15 =	sand.u32 $0xFF, s21;
	[sflag:s23] =	ssyncadd.s32 $0xFFFFE000;
	s21 =	simm.s32 $0x8200  }
0xa4: {  	[hbm4b:s13+s5] =	stream.strided.scatter [tilespmem:s21], [sflag:$0x7], $0x2000, s10, s5, $0x38;
	[tilespmem:$0xC200] =	vst v63  }
0xa5: {  	s4 =	sadd.s32 s3, s4;
	s13 =	smul.u32 $0x29, s15;
	s15 =	simm.s32 $0x1  }
0xa6: {  	s1 =	sadd.s32 s31, s1;
	s2 =	ssub.s32 s2, s14;
	_ =	swait.ge [sflag:s15], $0x80  }
0xa7: {  	s14 =	simm.s32 $0x0;
	s31 =	simm.s32 $0x200;
	[sflag:s15] =	ssyncset.done $0x0  }
0xa8: {  	s21 =	smov.u32 s3;
	s3 =	simm.s32 $0x80;
	[sflag:s15] =	ssyncadd.s32 $0xFFFFFF80  }
0xa9: {  	[tilespmem:s31], [sflag:$0x5] =	stream.indirect.gather [hbm4b:s29+s3], $0x80, s14, s3, $0xb8;
	[tilespmem:$0xC200] =	vst v63  }
0xaa: {  	s12 =	ssub.s32 s9, s12;
	s13 =	sshrl.u32 s13, $0xB;
	s31 =	simm.s32 $0x6  }
0xab: {  	s12 =	sadd.s32 $0x480, s12;
	s13 =	sadd.s32 s13, s24;
	_ =	swait.ge [sflag:s31], $0x4000  }
0xac: {  	s2 =	sand.u32 $0xFFFE0000, s2;
	s13 =	sshll.u32 s13, $0xA;
	[sflag:s31] =	ssyncset.done $0x0  }
0xad: {  	s12 =	sand.u32 $0x380, s12;
	s2 =	sadd.s32 s13, s2;
	[sflag:s31] =	ssyncadd.s32 $0xFFFFC000  }
0xae: {  	[tilespmem:s7], [sflag:$0x4] =	stream.linear.gather [hbm4b:s4+s14], $0x80, $0x38;
	[tilespmem:$0xC200] =	vst v63  }
0xaf: {  	s2 =	sor.u32 s12, s2;
	s12 =	sadd.s32 $0xFFFFFFFF, s11;
	s14 =	smulhi.u32 $0x51EB851F, s11  }
0xb0: {  	s6 =	sshrl.u32 s6, $0x3;
	s12 =	sand.u32 $0xFF, s12;
	s7 =	smulhi.u32 $0x51EB851F, s30  }
0xb1: {  	s4 =	sshrl.u32 s2, $0x3;
	s2 =	sshrl.u32 s20, $0x4;
	s12 =	smul.u32 $0x29, s12  }
0xb2: {  	s6 =	sadd.s32 s21, s6;
	s21 =	simm.s32 $0x2;
	s15 =	smul.u32 $0xC8000, s2  }
0xb3: {  	s11 =	sand.u32 $0xFF, s11;
	_ =	swait.ge [sflag:s25], $0x2000;
	s2 =	smul.u32 $0x1900, s2  }
0xb4: {  	[sflag:s25] =	ssyncset.done $0x0;
	s20 =	sshrl.u32 s14, $0x4;
	s13 =	sshrl.u32 s7, $0x4  }
0xb5: {  	s12 =	sshrl.u32 s12, $0xB;
	[sflag:s25] =	ssyncadd.s32 $0xFFFFE000;
	s25 =	simm.s32 $0xA200  }
0xb6: {  	s13 =	smul.u32 $0x31FFC00, s13;
	s2 =	ssub.s32 s9, s2;
	s12 =	sadd.s32 s12, s24  }
0xb7: {  	[hbm4b:s1+s5] =	stream.strided.scatter [tilespmem:s25], [sflag:$0x8], $0x2000, s10, s5, $0x38;
	[tilespmem:$0xC200] =	vst v63  }
0xb8: {  	s10 =	simm.s32 $0x20000;
	s5 =	simm.s32 $0x400;
	_ =	swait.ge [sflag:s21], $0x80  }
0xb9: {  	s2 =	sadd.s32 $0x500, s2;
	s12 =	sshll.u32 s12, $0xA;
	s25 =	rddreg [dreg:$0x5]  }
0xba: {  	s2 =	sand.u32 $0x300, s2;
	[sflag:s21] =	ssyncset.done $0x0;
	s14 =	rddreg [dreg:$0x11]  }
0xbb: {  	s7 =	smul.u32 $0x31FFC00, s14;
	[sflag:s21] =	ssyncadd.s32 $0xFFFFFF80;
	s21 =	simm.s32 $0x4200  }
0xbc: {  	[tilespmem:s21], [sflag:$0x6] =	stream.indirect.gather [hbm4b:s29+s3], $0x80, s3, s3, $0xb8;
	[tilespmem:$0xC200] =	vst v63  }
0xbd: {  	s1 =	rddreg [dreg:$0x4];
	_ =	swait.ge [sflag:s22], $0x4000;
	s7 =	ssub.s32 s25, s7  }
0xbe: {  	s3 =	rddreg [dreg:$0xa];
	[sflag:s22] =	ssyncset.done $0x0;
	s21 =	sadd.s32 s7, s8  }
0xbf: {  	s14 =	rddreg [dreg:$0xf];
	s13 =	ssub.s32 s3, s13;
	[sflag:s22] =	ssyncadd.s32 $0xFFFFC000  }
0xc0: {  	s15 =	ssub.s32 s14, s15;
	s22 =	simm.s32 $0x0;
	s14 =	sadd.s32 s13, s8  }
0xc1: {  	[tilespmem:s22], [sflag:$0x1] =	stream.linear.gather [hbm4b:s6+s22], $0x80, $0x38;
	[tilespmem:$0xC200] =	vst v63  }
0xc2: {  	s7 =	sand.u32 $0xFFFE0000, s15;
	s15 =	simm.s32 $0x8200;
	_ =	swait.ge [sflag:s23], $0x2000  }
0xc3: {  	s22 =	smul.u32 $0x1900, s20;
	s13 =	sadd.s32 $0x400000, s14;
	[sflag:s23] =	ssyncset.done $0x0  }
0xc4: {  	s25 =	sadd.s32 s12, s7;
	s14 =	sadd.s32 $0x500000, s14;
	[sflag:s23] =	ssyncadd.s32 $0xFFFFE000  }
0xc5: {  	s3 =	sshrl.u32 s13, $0x3;
	s13 =	sor.u32 s2, s25;
	s12 =	rddreg [dreg:$0x2]  }
0xc6: {  	s25 =	smul.u32 $0xC8000, s20;
	s7 =	ssub.s32 s9, s22;
	s2 =	sadd.s32 s12, s3  }
0xc7: {  	[hbm4b:s2+s5] =	stream.strided.scatter [tilespmem:s15], [sflag:$0x7], $0x2000, s10, s5, $0x38;
	[tilespmem:$0xC200] =	vst v63  }
0xc8: {  	s22 =	simm.s32 $0x100;
	s23 =	simm.s32 $0x3;
	s5 =	rddreg [dreg:$0xe]  }
0xc9: {  	s2 =	sshrl.u32 s14, $0x3;
	s14 =	smul.u32 $0x29, s11;
	_ =	swait.ge [sflag:s23], $0x80  }
0xca: {  	s10 =	smov.u32 s16;
	s16 =	sadd.s32 $0x580, s7;
	s15 =	rddreg [dreg:$0x10]  }
0xcb: {  	[sflag:s23] =	ssyncset.done $0x0;
	s20 =	rddreg [dreg:$0xd];
	s6 =	sshrl.u32 s14, $0xB  }
0xcc: {  	[sflag:s23] =	ssyncadd.s32 $0xFFFFFF80;
	s1 =	ssub.s32 s1, s15;
	s7 =	ssub.s32 s20, s25  }
0xcd: {  	s6 =	sadd.s32 s6, s24;
	s23 =	simm.s32 $0x200;
	s25 =	simm.s32 $0x80  }
0xce: {  	[tilespmem:s23], [sflag:$0x5] =	stream.indirect.gather [hbm4b:s29+s25], $0x80, s22, s25, $0xb8;
	[tilespmem:$0xC200] =	vst v63  }
.Ltmp0:
0xcf: {  	s24 =	rddreg [dreg:$0xc];
	_ =	swait.ge [sflag:s31], $0x4000;
	(pc) =	sbr.rel @p0 .LBB2_2-.Ltmp0, $4  }
0xd0: {  	s30 =	sadd.s32 $0x4, s30;
	s1 =	sadd.s32 s1, s8;
	[sflag:s31] =	ssyncset.done $0x0  }
0xd1: {  	s7 =	sand.u32 $0xFFFE0000, s7;
	s6 =	sshll.u32 s6, $0xA;
	[sflag:s31] =	ssyncadd.s32 $0xFFFFC000  }
0xd2: {  	s29 =	sand.u32 $0x380, s16;
	s6 =	sadd.s32 s6, s7;
	s31 =	rddreg [dreg:$0x0]  }
0xd3: {  	s1 =	sshrl.u32 s1, $0x3;
	s3 =	sadd.s32 s31, s4;
	s4 =	sor.u32 s29, s6  }
0xd4: {  	s5 =	simm.s32 $0x0;
	s7 =	simm.s32 $0x80;
	s19 =	simm.s32 $0x8  }
0xd5: {  	[tilespmem:s7], [sflag:$0x2] =	stream.linear.gather [hbm4b:s3+s5], $0x80, $0x38;
	[tilespmem:$0xC200] =	vst v63  }
0xd6: {  	_ =	swait.ge [sflag:s19], $0x2000  }
0xd7: {  	[sflag:s19] =	ssyncset.done $0x0  }
0xd8: {  	[sflag:s19] =	ssyncadd.s32 $0xFFFFE000  }
0xd9: {  	s14 =	simm.s32 $0x400;
	s15 =	simm.s32 $0xA200;
	s26 =	rddreg [dreg:$0x2]  }
0xda: {  	s17 =	simm.s32 $0x20000;
	s20 =	simm.s32 $0x4;
	s0 =	sadd.s32 s26, s2  }
0xdb: {  	[hbm4b:s0+s14] =	stream.strided.scatter [tilespmem:s15], [sflag:$0x8], $0x2000, s17, s14, $0x38;
	[tilespmem:$0xC200] =	vst v63  }
0xdc: {  	_ =	swait.ge [sflag:s20], $0x80  }
0xdd: {  	s9 =	simm.s32 $0x180;
	s11 =	simm.s32 $0x4200;
	[sflag:s20] =	ssyncset.done $0x0  }
0xde: {  	s12 =	simm.s32 $0x5;
	s6 =	rddreg [dreg:$0x6];
	[sflag:s20] =	ssyncadd.s32 $0xFFFFFF80  }
0xdf: {  	[tilespmem:s11], [sflag:$0x6] =	stream.indirect.gather [hbm4b:s6+s7], $0x80, s9, s7, $0xb8;
	[tilespmem:$0xC200] =	vst v63  }
0xe0: {  	_ =	swait.ge [sflag:s12], $0x4000  }
0xe1: {  	[sflag:s12] =	ssyncset.done $0x0  }
0xe2: {  	s28 =	sshrl.u32 s13, $0x3;
	s8 =	simm.s32 $0x100;
	s29 =	rddreg [dreg:$0x0]  }
0xe3: {  	s16 =	simm.s32 $0x7;
	[sflag:s12] =	ssyncadd.s32 $0xFFFFC000;
	s0 =	sadd.s32 s29, s28  }
0xe4: {  	[tilespmem:s8], [sflag:$0x3] =	stream.linear.gather [hbm4b:s0+s5], $0x80, $0x38;
	[tilespmem:$0xC200] =	vst v63  }
0xe5: {  	_ =	swait.ge [sflag:s16], $0x2000  }
0xe6: {  	s30 =	sshrl.u32 s21, $0x3;
	s31 =	simm.s32 $0x8200;
	[sflag:s16] =	ssyncset.done $0x0  }
0xe7: {  	s18 =	simm.s32 $0x1;
	s0 =	sadd.s32 s26, s30;
	[sflag:s16] =	ssyncadd.s32 $0xFFFFE000  }
0xe8: {  	[hbm4b:s0+s14] =	stream.strided.scatter [tilespmem:s31], [sflag:$0x7], $0x2000, s17, s14, $0x38;
	[tilespmem:$0xC200] =	vst v63  }
0xe9: {  	_ =	swait.ge [sflag:s18], $0x80  }
0xea: {  	[sflag:s18] =	ssyncset.done $0x0  }
0xeb: {  	s10 =	simm.s32 $0x200;
	[sflag:s18] =	ssyncadd.s32 $0xFFFFFF80;
	s18 =	simm.s32 $0x6  }
0xec: {  	[tilespmem:s10], [sflag:$0x5] =	stream.indirect.gather [hbm4b:s6+s7], $0x80, s5, s7, $0xb8;
	[tilespmem:$0xC200] =	vst v63  }
0xed: {  	_ =	swait.ge [sflag:s18], $0x4000  }
0xee: {  	s21 =	sshrl.u32 s4, $0x3;
	[sflag:s18] =	ssyncset.done $0x0  }
0xef: {  	s0 =	sadd.s32 s29, s21;
	[sflag:s18] =	ssyncadd.s32 $0xFFFFC000  }
0xf0: {  	[tilespmem:s9], [sflag:$0x4] =	stream.linear.gather [hbm4b:s0+s5], $0x80, $0x38;
	[tilespmem:$0xC200] =	vst v63  }
0xf1: {  	_ =	swait.ge [sflag:s19], $0x2000  }
0xf2: {  	[sflag:s19] =	ssyncset.done $0x0  }
0xf3: {  	s23 =	simm.s32 $0x2;
	s22 =	sadd.s32 s26, s1;
	[sflag:s19] =	ssyncadd.s32 $0xFFFFE000  }
0xf4: {  	[hbm4b:s22+s14] =	stream.strided.scatter [tilespmem:s15], [sflag:$0x8], $0x2000, s17, s14, $0x38;
	[tilespmem:$0xC200] =	vst v63  }
0xf5: {  	_ =	swait.ge [sflag:s23], $0x80  }
0xf6: {  	[sflag:s23] =	ssyncset.done $0x0  }
0xf7: {  	[sflag:s23] =	ssyncadd.s32 $0xFFFFFF80  }
0xf8: {  	[tilespmem:s11], [sflag:$0x6] =	stream.indirect.gather [hbm4b:s6+s7], $0x80, s7, s7, $0xb8;
	[tilespmem:$0xC200] =	vst v63  }
0xf9: {  	_ =	swait.ge [sflag:s12], $0x4000  }
0xfa: {  	[sflag:s12] =	ssyncset.done $0x0  }
0xfb: {  	[sflag:s12] =	ssyncadd.s32 $0xFFFFC000  }
0xfc: {  	_ =	swait.ge [sflag:s16], $0x2000  }
0xfd: {  	[sflag:s16] =	ssyncset.done $0x0  }
0xfe: {  	s25 =	simm.s32 $0x3;
	s24 =	rddreg [dreg:$0x1e];
	[sflag:s16] =	ssyncadd.s32 $0xFFFFE000  }
0xff: {  	[hbm4b:s24+s14] =	stream.strided.scatter [tilespmem:s31], [sflag:$0x7], $0x2000, s17, s14, $0x38;
	[tilespmem:$0xC200] =	vst v63  }
0x100: {  	_ =	swait.ge [sflag:s25], $0x80  }
0x101: {  	[sflag:s25] =	ssyncset.done $0x0  }
0x102: {  	[sflag:s25] =	ssyncadd.s32 $0xFFFFFF80  }
0x103: {  	[tilespmem:s10], [sflag:$0x5] =	stream.indirect.gather [hbm4b:s6+s7], $0x80, s8, s7, $0xb8;
	[tilespmem:$0xC200] =	vst v63  }
0x104: {  	_ =	swait.ge [sflag:s18], $0x4000  }
0x105: {  	[sflag:s18] =	ssyncset.done $0x0  }
0x106: {  	[sflag:s18] =	ssyncadd.s32 $0xFFFFC000  }
0x107: {  	_ =	swait.ge [sflag:s19], $0x2000  }
0x108: {  	[sflag:s19] =	ssyncset.done $0x0  }
0x109: {  	s26 =	rddreg [dreg:$0x1f];
	[sflag:s19] =	ssyncadd.s32 $0xFFFFE000  }
0x10a: {  	[hbm4b:s26+s14] =	stream.strided.scatter [tilespmem:s15], [sflag:$0x8], $0x2000, s17, s14, $0x38;
	[tilespmem:$0xC200] =	vst v63  }
0x10b: {  	_ =	swait.ge [sflag:s20], $0x80  }
0x10c: {  	[sflag:s20] =	ssyncset.done $0x0  }
0x10d: {  	[sflag:s20] =	ssyncadd.s32 $0xFFFFFF80  }
0x10e: {  	[tilespmem:s11], [sflag:$0x6] =	stream.indirect.gather [hbm4b:s6+s7], $0x80, s9, s7, $0xb8;
	[tilespmem:$0xC200] =	vst v63  }
0x10f: {  	_ =	swait.ge [sflag:s12], $0x4000  }
0x110: {  	[sflag:s12] =	ssyncset.done $0x0  }
0x111: {  	[sflag:s12] =	ssyncadd.s32 $0xFFFFC000  }
0x112: {  	_ =	swait.ge [sflag:s16], $0x2000  }
0x113: {  	s28 =	sld [smem:$0x7FB]  }
0x114: {  	[sflag:s16] =	ssyncset.done $0x0  }
0x115: {  	[sflag:s16] =	ssyncadd.s32 $0xFFFFE000  }
0x116: {  	[hbm4b:s28+s14] =	stream.strided.scatter [tilespmem:s31], [sflag:$0x7], $0x2000, s17, s14, $0x38;
	[tilespmem:$0xC200] =	vst v63  }
0x117: {  	_ =	swait.ge [sflag:s18], $0x4000  }
0x118: {  	[sflag:s18] =	ssyncset.done $0x0  }
0x119: {  	[sflag:s18] =	ssyncadd.s32 $0xFFFFC000  }
0x11a: {  	_ =	swait.ge [sflag:s19], $0x2000  }
0x11b: {  	s29 =	sld [smem:$0x7FC]  }
0x11c: {  	[sflag:s19] =	ssyncset.done $0x0  }
0x11d: {  	[sflag:s19] =	ssyncadd.s32 $0xFFFFE000  }
0x11e: {  	[hbm4b:s29+s14] =	stream.strided.scatter [tilespmem:s15], [sflag:$0x8], $0x2000, s17, s14, $0x38;
	[tilespmem:$0xC200] =	vst v63  }
0x11f: {  	_ =	swait.ge [sflag:s16], $0x2000  }
0x120: {  	[sflag:s16] =	ssyncset.done $0x0  }
0x121: {  	[sflag:s16] =	ssyncadd.s32 $0xFFFFE000  }
0x122: {  	_ =	swait.ge [sflag:s19], $0x2000  }
0x123: {  	s30 =	sld [smem:$0x7FA]  }
0x124: {  	s31 =	sld [smem:$0x7FD];
	_ =	sdelay $0x1  }
0x125: {  	s1 =	sadd.s32 $0x1, s30  }
0x126: {  	p0 =	sne.s32 s1, s31  }
.Ltmp1:
0x127: {  	_ = 	snop;
	(pc) =	sbr.rel @p0 .LBB2_1-.Ltmp1, $3  }
0x128: {  	_ =	sdelay $0x1  }
0x129: {  	[sflag:s19] =	ssyncset.done $0x0;
	s15 =	rddreg [dreg:$0xa]  }
0x12a: {  	s20 =	rddreg [dreg:$0xb];
	[sflag:s19] =	ssyncadd.s32 $0xFFFFE000  }
0x12b: {  	_ =	sfence.sel $0x180000  }
0x12c: {  	[bflag:$0x0] =	sbarrier.arrive $0xFFFF  }
0x12d: {  	_ =	strace $0x9000004A  }
0x12e: {  	s0 =	stileid.u32;
	[bflag:$0x2] =	sbarrier.arrive $0xFFFF  }
0x12f: {  	p0 =	sne.s32 s0, $0x0;
	s0 =	rddreg [dreg:$0x3]  }
0x130: {  	s0 =	sadd.s32 @!p0 $0x100000, s0  }
0x131: {  	[sflag:s0] =	ssyncadd.tile.s32 @!p0 $0x1;
	_ =	shalt  }
.Lfunc_end2:
_tile_overlayer_lowered:
.L_overlay_start_2:
0x132: {  	(tag) =	ssettag $0x2  }
0x133: {  	s0 =	rddreg [dreg:$0x0];
	s2 =	stileid.u32  }
0x134: {  	s1 =	rddreg [dreg:$0x1];
	p0 =	sne.s32 s2, $0x0  }
0x135: {  	s3 =	rddreg [dreg:$0x2];
	[bflag:$0x3] =	sbarrier.arrive $0xFFFF;
	s2 =	simm.s32 @!p0 $0x1C09  }
0x136: {  	[timem:s3], [sflag:s2] =	dma.local @!p0 [hbm:s0], s1  }
0x137: {  	s0 =	simm.s32 @!p0 $0x9  }
0x138: {  	_ =	swait.ge @!p0 [sflag:s0], s1  }
0x139: {  	s1 =	ssub.s32 @!p0 $0x0, s1;
	[sflag:s0] =	ssyncset.done @!p0 $0x0  }
0x13a: {  	[sflag:s0] =	ssyncadd.s32 @!p0 s1  }
0x13b: {  	[bflag:$0x3] =	sbarrier.arrive $0xFFFF  }
0x13c: {  	_ =	shalt  }

</sc_bundles>
